<compile_context>
chip_gen: v7x
topology: tpu7x:2x2x1
jax: 0.10.2.dev20260603
libtpu: 0.0.44.dev20260713+nightly
codegen_flags: <defaults>
</compile_context>

<pallas_src>
import functools

import jax
import jax.numpy as jnp
from jax import lax
from jax.experimental import pallas as pl
from jax.experimental.pallas import tpu as pltpu
from jax.experimental.pallas import tpu_sc as plsc

_N = 10000
_E = 160000
_H = 256
_L = 5
_NC = 2
_NS = 16
_HH = _H // 2
_B = 125
_EPT = 10000
_EPAD = _NS * _EPT
_NB = _EPT // _B
_NP = 10112
_RPW = _NP // _NS
_BN = 1000

_sc_mesh = plsc.VectorSubcoreMesh(core_axis_name="c", subcore_axis_name="s")


@functools.partial(
    pl.kernel,
    out_type=jax.ShapeDtypeStruct((_NC * _NP, _HH), jnp.float32),
    mesh=_sc_mesh,
    scratch_types=[
        pltpu.VMEM((_NB, _B), jnp.int32),
        pltpu.VMEM((_NB, _B), jnp.int32),
        pltpu.VMEM((_B, _HH), jnp.float32),
        pltpu.VMEM_SHARED((_NP, _HH), jnp.float32),
        pltpu.SemaphoreType.DMA,
    ],
)
def _sc_agg(m2, srcs, dsts, zeros, out, src_v, dst_v, rows_v, acc, sem):
    c = lax.axis_index("c")
    s = lax.axis_index("s")
    pltpu.sync_copy(zeros.at[pl.ds(s * _RPW, _RPW)], acc.at[pl.ds(s * _RPW, _RPW)])
    pltpu.sync_copy(srcs.at[c * _NS + s], src_v)
    pltpu.sync_copy(dsts.at[s], dst_v)
    plsc.subcore_barrier()

    def body(j, carry):
        pltpu.async_copy(m2.at[src_v.at[j]], rows_v, sem).wait()
        pltpu.sync_copy(rows_v, acc.at[dst_v.at[j]], add=True)
        return carry

    lax.fori_loop(0, _NB, body, 0)
    plsc.subcore_barrier()
    pltpu.sync_copy(acc.at[pl.ds(s * _RPW, _RPW)],
                    out.at[pl.ds(c * _NP + s * _RPW, _RPW)])


def _mm_gh_body(h_ref, w_ref, whhT_ref, bhh_ref, m2_ref, gh_ref):
    h = h_ref[...].astype(jnp.bfloat16)
    m = jnp.dot(h, w_ref[...].astype(jnp.bfloat16),
                preferred_element_type=jnp.float32)
    m2_ref[0] = m[:, :_HH]
    m2_ref[1] = m[:, _HH:]
    gh_ref[...] = (jnp.dot(h, whhT_ref[...].astype(jnp.bfloat16),
                           preferred_element_type=jnp.float32)
                   + bhh_ref[...])


_mm_gh = pl.pallas_call(
    _mm_gh_body,
    grid=(_N // _BN,),
    in_specs=[
        pl.BlockSpec((_BN, _H), lambda i: (i, 0)),
        pl.BlockSpec((_H, _H), lambda i: (0, 0)),
        pl.BlockSpec((_H, 3 * _H), lambda i: (0, 0)),
        pl.BlockSpec((1, 3 * _H), lambda i: (0, 0)),
    ],
    out_specs=[
        pl.BlockSpec((2, _BN, _HH), lambda i: (0, i, 0)),
        pl.BlockSpec((_BN, 3 * _H), lambda i: (i, 0)),
    ],
    out_shape=[
        jax.ShapeDtypeStruct((2, _N, _HH), jnp.float32),
        jax.ShapeDtypeStruct((_N, 3 * _H), jnp.float32),
    ],
)


def _gru_math(agg_ref, h_ref, gh_ref, wihT_ref, bih_ref):
    agg = jnp.concatenate([agg_ref[0], agg_ref[1]], axis=-1).astype(jnp.bfloat16)
    gi = (jnp.dot(agg, wihT_ref[...].astype(jnp.bfloat16),
                  preferred_element_type=jnp.float32)
          + bih_ref[...])
    gh = gh_ref[...]
    h = h_ref[...]
    r = jax.nn.sigmoid(gi[:, :_H] + gh[:, :_H])
    z = jax.nn.sigmoid(gi[:, _H:2 * _H] + gh[:, _H:2 * _H])
    n = jnp.tanh(gi[:, 2 * _H:] + r * gh[:, 2 * _H:])
    return (1.0 - z) * n + z * h


def _fused_body(agg_ref, h_ref, gh_ref, wihT_ref, bih_ref, w_ref, whhT_ref,
                bhh_ref, hnew_ref, m2_ref, ghn_ref):
    hnew = _gru_math(agg_ref, h_ref, gh_ref, wihT_ref, bih_ref)
    hnew_ref[...] = hnew
    hb = hnew.astype(jnp.bfloat16)
    m = jnp.dot(hb, w_ref[...].astype(jnp.bfloat16),
                preferred_element_type=jnp.float32)
    m2_ref[0] = m[:, :_HH]
    m2_ref[1] = m[:, _HH:]
    ghn_ref[...] = (jnp.dot(hb, whhT_ref[...].astype(jnp.bfloat16),
                            preferred_element_type=jnp.float32)
                    + bhh_ref[...])


_fused = pl.pallas_call(
    _fused_body,
    grid=(_N // _BN,),
    in_specs=[
        pl.BlockSpec((2, _BN, _HH), lambda i: (0, i, 0)),
        pl.BlockSpec((_BN, _H), lambda i: (i, 0)),
        pl.BlockSpec((_BN, 3 * _H), lambda i: (i, 0)),
        pl.BlockSpec((_H, 3 * _H), lambda i: (0, 0)),
        pl.BlockSpec((1, 3 * _H), lambda i: (0, 0)),
        pl.BlockSpec((_H, _H), lambda i: (0, 0)),
        pl.BlockSpec((_H, 3 * _H), lambda i: (0, 0)),
        pl.BlockSpec((1, 3 * _H), lambda i: (0, 0)),
    ],
    out_specs=[
        pl.BlockSpec((_BN, _H), lambda i: (i, 0)),
        pl.BlockSpec((2, _BN, _HH), lambda i: (0, i, 0)),
        pl.BlockSpec((_BN, 3 * _H), lambda i: (i, 0)),
    ],
    out_shape=[
        jax.ShapeDtypeStruct((_N, _H), jnp.float32),
        jax.ShapeDtypeStruct((2, _N, _HH), jnp.float32),
        jax.ShapeDtypeStruct((_N, 3 * _H), jnp.float32),
    ],
)


def _gru_fc_body(agg_ref, h_ref, gh_ref, wihT_ref, bih_ref, w_ref, b_ref, o_ref):
    hnew = _gru_math(agg_ref, h_ref, gh_ref, wihT_ref, bih_ref)
    o = (jnp.dot(hnew.astype(jnp.bfloat16), w_ref[...].astype(jnp.bfloat16),
                 preferred_element_type=jnp.float32) + b_ref[...])
    o_ref[...] = jnp.clip(o, 0.01, 1.0)


_gru_fc = pl.pallas_call(
    _gru_fc_body,
    grid=(_N // _BN,),
    in_specs=[
        pl.BlockSpec((2, _BN, _HH), lambda i: (0, i, 0)),
        pl.BlockSpec((_BN, _H), lambda i: (i, 0)),
        pl.BlockSpec((_BN, 3 * _H), lambda i: (i, 0)),
        pl.BlockSpec((_H, 3 * _H), lambda i: (0, 0)),
        pl.BlockSpec((1, 3 * _H), lambda i: (0, 0)),
        pl.BlockSpec((_H, 1), lambda i: (0, 0)),
        pl.BlockSpec((1, 1), lambda i: (0, 0)),
    ],
    out_specs=pl.BlockSpec((_BN, 1), lambda i: (i, 0)),
    out_shape=jax.ShapeDtypeStruct((_N, 1), jnp.float32),
)


def kernel(x, edge_index, weight, W_ih, W_hh, b_ih, b_hh, fc_w, fc_b):
    h = x
    if h.shape[-1] < _H:
        h = jnp.concatenate(
            [h, jnp.zeros((h.shape[0], _H - h.shape[-1]), dtype=h.dtype)], axis=-1)
    src = edge_index[0].astype(jnp.int32)
    dst = edge_index[1].astype(jnp.int32)
    npad = _EPAD - _E
    srcp = jnp.concatenate([src, jnp.zeros((npad,), jnp.int32)])
    dstp = jnp.concatenate([dst, jnp.full((npad,), _N, jnp.int32)])
    srcs = jnp.stack([srcp, srcp + _N]).reshape(_NC * _NS, _NB, _B)
    dsts = dstp.reshape(_NS, _NB, _B)
    zeros = jnp.zeros((_NP, _HH), jnp.float32)
    whhT = W_hh.T
    wihT = W_ih.T
    bhh = b_hh.reshape(1, 3 * _H)
    bih = b_ih.reshape(1, 3 * _H)
    m2, gh = _mm_gh(h, weight[0], whhT, bhh)
    for l in range(_L - 1):
        aggflat = _sc_agg(m2.reshape(_NC * _N, _HH), srcs, dsts, zeros)
        h, m2, gh = _fused(aggflat.reshape(_NC, _NP, _HH), h, gh, wihT, bih,
                           weight[l + 1], whhT, bhh)
    aggflat = _sc_agg(m2.reshape(_NC * _N, _HH), srcs, dsts, zeros)
    return _gru_fc(aggflat.reshape(_NC, _NP, _HH), h, gh, wihT, bih,
                   fc_w.T, fc_b.reshape(1, 1))

# --- scband reference (transcript-rebuilt; emitter-appended) ---
"""Pipeline reference for scband-ggnn-37151467111309 (READ-ONLY COPY).

The authoritative reference and input builder live on the scoring server;
editing this copy changes nothing except your own understanding.
"""

import jax, jax.numpy as jnp
import numpy as np

N = 10000
E = 160000
F = 256
H = 256
L = 5


def setup_inputs(seed: int = 0) -> dict:
    key = jax.random.key(seed)
    k = jax.random.split(key, 9)
    x = jax.random.normal(k[0], (N, F), dtype=jnp.float32)
    edge_index = jax.random.randint(k[1], (2, E), 0, N, dtype=jnp.int64)
    s = 1.0 / np.sqrt(H)
    weight = jax.random.uniform(k[2], (L, H, H), dtype=jnp.float32, minval=-s, maxval=s)
    W_ih = jax.random.uniform(k[3], (3 * H, H), dtype=jnp.float32, minval=-s, maxval=s)
    W_hh = jax.random.uniform(k[4], (3 * H, H), dtype=jnp.float32, minval=-s, maxval=s)
    b_ih = jax.random.uniform(k[5], (3 * H,), dtype=jnp.float32, minval=-s, maxval=s)
    b_hh = jax.random.uniform(k[6], (3 * H,), dtype=jnp.float32, minval=-s, maxval=s)
    xg = np.sqrt(6.0 / (H + 1))
    fc_w = jax.random.uniform(k[7], (1, H), dtype=jnp.float32, minval=-xg, maxval=xg)
    fc_b = jax.random.uniform(k[8], (1,), dtype=jnp.float32, minval=-s, maxval=s)
    return {"x": x, "edge_index": edge_index, "weight": weight, "W_ih": W_ih,
            "W_hh": W_hh, "b_ih": b_ih, "b_hh": b_hh, "fc_w": fc_w, "fc_b": fc_b}


def _gru_cell(m, h, W_ih, W_hh, b_ih, b_hh):
    gi = m @ W_ih.T + b_ih
    gh = h @ W_hh.T + b_hh
    i_r, i_z, i_n = jnp.split(gi, 3, axis=-1)
    h_r, h_z, h_n = jnp.split(gh, 3, axis=-1)
    r = jax.nn.sigmoid(i_r + h_r)
    z = jax.nn.sigmoid(i_z + h_z)
    n = jnp.tanh(i_n + r * h_n)
    return (1.0 - z) * n + z * h


def reference(x, edge_index, weight, W_ih, W_hh, b_ih, b_hh, fc_w, fc_b):
    # GatedGraphConv (PyG semantics): pad input to out_channels, then per layer
    # m = x @ weight[l]; aggregate m[src] into dst by sum; h = GRUCell(m_agg, h)
    h = x
    if h.shape[-1] < H:
        h = jnp.concatenate([h, jnp.zeros((h.shape[0], H - h.shape[-1]), dtype=h.dtype)], axis=-1)
    src = edge_index[0]
    dst = edge_index[1]
    for l in range(L):
        m = h @ weight[l]
        agg = jnp.zeros((h.shape[0], H), dtype=h.dtype).at[dst].add(m[src])
        h = _gru_cell(agg, h, W_ih, W_hh, b_ih, b_hh)
    out = h @ fc_w.T + fc_b
    return jnp.clip(out, 0.01, 1.0)

if __name__ == "__main__":
    import jax
    _d = setup_inputs()
    print(jax.jit(kernel)(*tuple(_d.values())))

</pallas_src>

<mosaic_0001>
#map = affine_map<(d0, d1) -> (0, 0)>
#map1 = affine_map<(d0, d1) -> (0, 0, 0)>
module attributes {stable_mosaic.version = 14 : i64} {
  func.func @_sc_agg(%arg0: i32, %arg1: i32, %arg2: memref<20000x128xf32, #tpu.memory_space<hbm>>, %arg3: memref<32x80x125xi32, #tpu.memory_space<hbm>>, %arg4: memref<16x80x125xi32, #tpu.memory_space<hbm>>, %arg5: memref<10112x128xf32, #tpu.memory_space<hbm>>, %arg6: memref<20224x128xf32, #tpu.memory_space<hbm>>, %arg7: memref<80x125xi32, #tpu.memory_space<vmem>>, %arg8: memref<80x125xi32, #tpu.memory_space<vmem>>, %arg9: memref<125x128xf32, #tpu.memory_space<vmem>>, %arg10: memref<10112x128xf32, #tpu.memory_space<vmem_shared>>, %arg11: memref<!tpu.dma_semaphore, #tpu.memory_space<semaphore_mem>>) attributes {dimension_semantics = [#tpu.dimension_semantics<core_parallel>, #tpu.dimension_semantics<subcore_parallel>], iteration_bounds = array<i64: 2, 16>, scalar_prefetch = 0 : i64, scratch_operands = 5 : i64, tpu.core_type = #tpu.core_type<sc_vector_subcore>, window_params = [{transform_indices = #map}, {transform_indices = #map1}, {transform_indices = #map1}, {transform_indices = #map}, {transform_indices = #map}]} {
    %mul3A = arith.constant 632 : i32
    %mul3A_0 = arith.muli %arg1, %mul3A : i32
    %mul3A_1 = arith.constant 632 : i32
    %mul3A_2 = arith.muli %arg1, %mul3A_1 : i32
    "tpu.region"() ({
      %run_scoped3A = tpu.sem_alloc : memref<!tpu.dma_semaphore, #tpu.memory_space<semaphore_mem>>
      %dma_start3A = arith.constant 0 : i32
      %dma_start3A_18 = tpu.memref_slice %arg10[%mul3A_2, %dma_start3A] : memref<10112x128xf32, #tpu.memory_space<vmem_shared>> -> memref<632x128xf32, #tpu.memory_space<vmem_shared>>
      %dma_start3A_19 = arith.constant 0 : i32
      %dma_start3A_20 = tpu.memref_slice %arg5[%mul3A_0, %dma_start3A_19] : memref<10112x128xf32, #tpu.memory_space<hbm>> -> memref<632x128xf32, #tpu.memory_space<hbm>>
      tpu.enqueue_dma source(%dma_start3A_20 : memref<632x128xf32, #tpu.memory_space<hbm>>) target(%dma_start3A_18 : memref<632x128xf32, #tpu.memory_space<vmem_shared>>) target_semaphore(%run_scoped3A : memref<!tpu.dma_semaphore, #tpu.memory_space<semaphore_mem>>)
      %dma_wait3A = arith.constant 0 : i32
      %dma_wait3A_21 = tpu.memref_slice %arg10[%mul3A_2, %dma_wait3A] : memref<10112x128xf32, #tpu.memory_space<vmem_shared>> -> memref<632x128xf32, #tpu.memory_space<vmem_shared>>
      %dma_wait3A_22 = arith.constant 0 : i32
      %dma_wait3A_23 = tpu.memref_slice %arg5[%mul3A_0, %dma_wait3A_22] : memref<10112x128xf32, #tpu.memory_space<hbm>> -> memref<632x128xf32, #tpu.memory_space<hbm>>
      tpu.wait_dma2 semaphore(%run_scoped3A : memref<!tpu.dma_semaphore, #tpu.memory_space<semaphore_mem>>) src(%dma_wait3A_23 : memref<632x128xf32, #tpu.memory_space<hbm>>) dst(%dma_wait3A_21 : memref<632x128xf32, #tpu.memory_space<vmem_shared>>)
      tpu.yield
    }) : () -> ()
    %mul3A_3 = arith.constant 16 : i32
    %mul3A_4 = arith.muli %arg0, %mul3A_3 : i32
    %add3A = arith.addi %mul3A_4, %arg1 : i32
    "tpu.region"() ({
      %run_scoped3A = tpu.sem_alloc : memref<!tpu.dma_semaphore, #tpu.memory_space<semaphore_mem>>
      %dma_start3A = arith.constant 0 : i32
      %dma_start3A_18 = arith.constant 0 : i32
      %dma_start3A_19 = tpu.memref_slice %arg3[%add3A, %dma_start3A, %dma_start3A_18] : memref<32x80x125xi32, #tpu.memory_space<hbm>> -> memref<1x80x125xi32, #tpu.memory_space<hbm>>
      %dma_start3A_20 = tpu.memref_squeeze %dma_start3A_19 : memref<1x80x125xi32, #tpu.memory_space<hbm>> -> memref<80x125xi32, #tpu.memory_space<hbm>>
      %dma_start3A_21 = arith.constant 0 : i32
      %dma_start3A_22 = arith.constant 0 : i32
      %dma_start3A_23 = tpu.memref_slice %arg3[%add3A, %dma_start3A_21, %dma_start3A_22] : memref<32x80x125xi32, #tpu.memory_space<hbm>> -> memref<1x80x125xi32, #tpu.memory_space<hbm>>
      %dma_start3A_24 = tpu.memref_squeeze %dma_start3A_23 : memref<1x80x125xi32, #tpu.memory_space<hbm>> -> memref<80x125xi32, #tpu.memory_space<hbm>>
      tpu.enqueue_dma source(%dma_start3A_24 : memref<80x125xi32, #tpu.memory_space<hbm>>) target(%arg7 : memref<80x125xi32, #tpu.memory_space<vmem>>) target_semaphore(%run_scoped3A : memref<!tpu.dma_semaphore, #tpu.memory_space<semaphore_mem>>)
      %dma_wait3A = arith.constant 0 : i32
      %dma_wait3A_25 = arith.constant 0 : i32
      %dma_wait3A_26 = tpu.memref_slice %arg3[%add3A, %dma_wait3A, %dma_wait3A_25] : memref<32x80x125xi32, #tpu.memory_space<hbm>> -> memref<1x80x125xi32, #tpu.memory_space<hbm>>
      %dma_wait3A_27 = tpu.memref_squeeze %dma_wait3A_26 : memref<1x80x125xi32, #tpu.memory_space<hbm>> -> memref<80x125xi32, #tpu.memory_space<hbm>>
      %dma_wait3A_28 = arith.constant 0 : i32
      %dma_wait3A_29 = arith.constant 0 : i32
      %dma_wait3A_30 = tpu.memref_slice %arg3[%add3A, %dma_wait3A_28, %dma_wait3A_29] : memref<32x80x125xi32, #tpu.memory_space<hbm>> -> memref<1x80x125xi32, #tpu.memory_space<hbm>>
      %dma_wait3A_31 = tpu.memref_squeeze %dma_wait3A_30 : memref<1x80x125xi32, #tpu.memory_space<hbm>> -> memref<80x125xi32, #tpu.memory_space<hbm>>
      tpu.wait_dma2 semaphore(%run_scoped3A : memref<!tpu.dma_semaphore, #tpu.memory_space<semaphore_mem>>) src(%dma_wait3A_31 : memref<80x125xi32, #tpu.memory_space<hbm>>) dst(%arg7 : memref<80x125xi32, #tpu.memory_space<vmem>>)
      tpu.yield
    }) : () -> ()
    "tpu.region"() ({
      %run_scoped3A = tpu.sem_alloc : memref<!tpu.dma_semaphore, #tpu.memory_space<semaphore_mem>>
      %dma_start3A = arith.constant 0 : i32
      %dma_start3A_18 = arith.constant 0 : i32
      %dma_start3A_19 = tpu.memref_slice %arg4[%arg1, %dma_start3A, %dma_start3A_18] : memref<16x80x125xi32, #tpu.memory_space<hbm>> -> memref<1x80x125xi32, #tpu.memory_space<hbm>>
      %dma_start3A_20 = tpu.memref_squeeze %dma_start3A_19 : memref<1x80x125xi32, #tpu.memory_space<hbm>> -> memref<80x125xi32, #tpu.memory_space<hbm>>
      %dma_start3A_21 = arith.constant 0 : i32
      %dma_start3A_22 = arith.constant 0 : i32
      %dma_start3A_23 = tpu.memref_slice %arg4[%arg1, %dma_start3A_21, %dma_start3A_22] : memref<16x80x125xi32, #tpu.memory_space<hbm>> -> memref<1x80x125xi32, #tpu.memory_space<hbm>>
      %dma_start3A_24 = tpu.memref_squeeze %dma_start3A_23 : memref<1x80x125xi32, #tpu.memory_space<hbm>> -> memref<80x125xi32, #tpu.memory_space<hbm>>
      tpu.enqueue_dma source(%dma_start3A_24 : memref<80x125xi32, #tpu.memory_space<hbm>>) target(%arg8 : memref<80x125xi32, #tpu.memory_space<vmem>>) target_semaphore(%run_scoped3A : memref<!tpu.dma_semaphore, #tpu.memory_space<semaphore_mem>>)
      %dma_wait3A = arith.constant 0 : i32
      %dma_wait3A_25 = arith.constant 0 : i32
      %dma_wait3A_26 = tpu.memref_slice %arg4[%arg1, %dma_wait3A, %dma_wait3A_25] : memref<16x80x125xi32, #tpu.memory_space<hbm>> -> memref<1x80x125xi32, #tpu.memory_space<hbm>>
      %dma_wait3A_27 = tpu.memref_squeeze %dma_wait3A_26 : memref<1x80x125xi32, #tpu.memory_space<hbm>> -> memref<80x125xi32, #tpu.memory_space<hbm>>
      %dma_wait3A_28 = arith.constant 0 : i32
      %dma_wait3A_29 = arith.constant 0 : i32
      %dma_wait3A_30 = tpu.memref_slice %arg4[%arg1, %dma_wait3A_28, %dma_wait3A_29] : memref<16x80x125xi32, #tpu.memory_space<hbm>> -> memref<1x80x125xi32, #tpu.memory_space<hbm>>
      %dma_wait3A_31 = tpu.memref_squeeze %dma_wait3A_30 : memref<1x80x125xi32, #tpu.memory_space<hbm>> -> memref<80x125xi32, #tpu.memory_space<hbm>>
      tpu.wait_dma2 semaphore(%run_scoped3A : memref<!tpu.dma_semaphore, #tpu.memory_space<semaphore_mem>>) src(%dma_wait3A_31 : memref<80x125xi32, #tpu.memory_space<hbm>>) dst(%arg8 : memref<80x125xi32, #tpu.memory_space<vmem>>)
      tpu.yield
    }) : () -> ()
    %barrier3A = arith.constant 0 : index
    tpu.barrier barrier_id(%barrier3A)
    %scan3A = arith.constant 0 : i32
    %scan3A_5 = arith.constant 0 : i32
    %scan3A_6 = arith.constant 80 : i32
    %scan3A_7 = arith.addi %scan3A_5, %scan3A_6 : i32
    %scan3A_8 = arith.constant 1 : i32
    scf.for %scan3A_18 = %scan3A_5 to %scan3A_7 step %scan3A_8  : i32 {
      %dma_start3A = arith.constant 0 : i32
      %dma_start3A_19 = tpu.memref_slice %arg7[%scan3A_18, %dma_start3A] : memref<80x125xi32, #tpu.memory_space<vmem>> -> memref<1x125xi32, #tpu.memory_space<vmem>>
      %dma_start3A_20 = tpu.memref_squeeze %dma_start3A_19 : memref<1x125xi32, #tpu.memory_space<vmem>> -> memref<125xi32, #tpu.memory_space<vmem>>
      %dma_start3A_21 = arith.constant 0 : i32
      %dma_start3A_22 = arith.constant 0 : i32
      %dma_start3A_23 = tpu.memref_slice %arg2[%dma_start3A_21, %dma_start3A_22] : memref<20000x128xf32, #tpu.memory_space<hbm>> -> memref<20000x128xf32, #tpu.memory_space<hbm>>
      tpu.enqueue_indirect_dma source(%dma_start3A_23 : memref<20000x128xf32, #tpu.memory_space<hbm>>) target(%arg9 : memref<125x128xf32, #tpu.memory_space<vmem>>) offsets(%dma_start3A_20 : memref<125xi32, #tpu.memory_space<vmem>>) semaphore(%arg11 : memref<!tpu.dma_semaphore, #tpu.memory_space<semaphore_mem>>)
      %dma_wait3A = arith.constant 0 : i32
      %dma_wait3A_24 = tpu.memref_slice %arg7[%scan3A_18, %dma_wait3A] : memref<80x125xi32, #tpu.memory_space<vmem>> -> memref<1x125xi32, #tpu.memory_space<vmem>>
      %dma_wait3A_25 = tpu.memref_squeeze %dma_wait3A_24 : memref<1x125xi32, #tpu.memory_space<vmem>> -> memref<125xi32, #tpu.memory_space<vmem>>
      %dma_wait3A_26 = arith.constant 0 : i32
      %dma_wait3A_27 = arith.constant 0 : i32
      %dma_wait3A_28 = tpu.memref_slice %arg2[%dma_wait3A_26, %dma_wait3A_27] : memref<20000x128xf32, #tpu.memory_space<hbm>> -> memref<20000x128xf32, #tpu.memory_space<hbm>>
      tpu.wait_indirect_dma semaphore(%arg11 : memref<!tpu.dma_semaphore, #tpu.memory_space<semaphore_mem>>) src(%dma_wait3A_28 : memref<20000x128xf32, #tpu.memory_space<hbm>>) dst(%arg9 : memref<125x128xf32, #tpu.memory_space<vmem>>)
      "tpu.region"() ({
        %run_scoped3A = tpu.sem_alloc : memref<!tpu.dma_semaphore, #tpu.memory_space<semaphore_mem>>
        %dma_start3A_29 = arith.constant 0 : i32
        %dma_start3A_30 = tpu.memref_slice %arg8[%scan3A_18, %dma_start3A_29] : memref<80x125xi32, #tpu.memory_space<vmem>> -> memref<1x125xi32, #tpu.memory_space<vmem>>
        %dma_start3A_31 = tpu.memref_squeeze %dma_start3A_30 : memref<1x125xi32, #tpu.memory_space<vmem>> -> memref<125xi32, #tpu.memory_space<vmem>>
        %dma_start3A_32 = arith.constant 0 : i32
        %dma_start3A_33 = arith.constant 0 : i32
        %dma_start3A_34 = tpu.memref_slice %arg10[%dma_start3A_32, %dma_start3A_33] : memref<10112x128xf32, #tpu.memory_space<vmem_shared>> -> memref<10112x128xf32, #tpu.memory_space<vmem_shared>>
        tpu.enqueue_indirect_dma source(%arg9 : memref<125x128xf32, #tpu.memory_space<vmem>>) target(%dma_start3A_34 : memref<10112x128xf32, #tpu.memory_space<vmem_shared>>) offsets(%dma_start3A_31 : memref<125xi32, #tpu.memory_space<vmem>>) semaphore(%run_scoped3A : memref<!tpu.dma_semaphore, #tpu.memory_space<semaphore_mem>>) {add = true}
        %dma_wait3A_35 = arith.constant 0 : i32
        %dma_wait3A_36 = tpu.memref_slice %arg8[%scan3A_18, %dma_wait3A_35] : memref<80x125xi32, #tpu.memory_space<vmem>> -> memref<1x125xi32, #tpu.memory_space<vmem>>
        %dma_wait3A_37 = tpu.memref_squeeze %dma_wait3A_36 : memref<1x125xi32, #tpu.memory_space<vmem>> -> memref<125xi32, #tpu.memory_space<vmem>>
        %dma_wait3A_38 = arith.constant 0 : i32
        %dma_wait3A_39 = arith.constant 0 : i32
        %dma_wait3A_40 = tpu.memref_slice %arg10[%dma_wait3A_38, %dma_wait3A_39] : memref<10112x128xf32, #tpu.memory_space<vmem_shared>> -> memref<10112x128xf32, #tpu.memory_space<vmem_shared>>
        tpu.wait_indirect_dma semaphore(%run_scoped3A : memref<!tpu.dma_semaphore, #tpu.memory_space<semaphore_mem>>) src(%arg9 : memref<125x128xf32, #tpu.memory_space<vmem>>) dst(%dma_wait3A_40 : memref<10112x128xf32, #tpu.memory_space<vmem_shared>>)
        tpu.yield
      }) : () -> ()
    }
    %scan3A_9 = arith.constant 80 : i32
    %barrier3A_10 = arith.constant 0 : index
    tpu.barrier barrier_id(%barrier3A_10)
    %mul3A_11 = arith.constant 632 : i32
    %mul3A_12 = arith.muli %arg1, %mul3A_11 : i32
    %mul3A_13 = arith.constant 10112 : i32
    %mul3A_14 = arith.muli %arg0, %mul3A_13 : i32
    %mul3A_15 = arith.constant 632 : i32
    %mul3A_16 = arith.muli %arg1, %mul3A_15 : i32
    %add3A_17 = arith.addi %mul3A_14, %mul3A_16 : i32
    "tpu.region"() ({
      %run_scoped3A = tpu.sem_alloc : memref<!tpu.dma_semaphore, #tpu.memory_space<semaphore_mem>>
      %dma_start3A = arith.constant 0 : i32
      %dma_start3A_18 = tpu.memref_slice %arg6[%add3A_17, %dma_start3A] : memref<20224x128xf32, #tpu.memory_space<hbm>> -> memref<632x128xf32, #tpu.memory_space<hbm>>
      %dma_start3A_19 = arith.constant 0 : i32
      %dma_start3A_20 = tpu.memref_slice %arg10[%mul3A_12, %dma_start3A_19] : memref<10112x128xf32, #tpu.memory_space<vmem_shared>> -> memref<632x128xf32, #tpu.memory_space<vmem_shared>>
      tpu.enqueue_dma source(%dma_start3A_20 : memref<632x128xf32, #tpu.memory_space<vmem_shared>>) target(%dma_start3A_18 : memref<632x128xf32, #tpu.memory_space<hbm>>) target_semaphore(%run_scoped3A : memref<!tpu.dma_semaphore, #tpu.memory_space<semaphore_mem>>)
      %dma_wait3A = arith.constant 0 : i32
      %dma_wait3A_21 = tpu.memref_slice %arg6[%add3A_17, %dma_wait3A] : memref<20224x128xf32, #tpu.memory_space<hbm>> -> memref<632x128xf32, #tpu.memory_space<hbm>>
      %dma_wait3A_22 = arith.constant 0 : i32
      %dma_wait3A_23 = tpu.memref_slice %arg10[%mul3A_12, %dma_wait3A_22] : memref<10112x128xf32, #tpu.memory_space<vmem_shared>> -> memref<632x128xf32, #tpu.memory_space<vmem_shared>>
      tpu.wait_dma2 semaphore(%run_scoped3A : memref<!tpu.dma_semaphore, #tpu.memory_space<semaphore_mem>>) src(%dma_wait3A_23 : memref<632x128xf32, #tpu.memory_space<vmem_shared>>) dst(%dma_wait3A_21 : memref<632x128xf32, #tpu.memory_space<hbm>>)
      tpu.yield
    }) : () -> ()
    return
  }
}

#map = affine_map<(d0, d1) -> (0, 0)>
#map1 = affine_map<(d0, d1) -> (0, 0, 0)>
module attributes {stable_mosaic.version = 14 : i64} {
  func.func @_sc_agg(%arg0: i32, %arg1: i32, %arg2: memref<20000x128xf32, #tpu.memory_space<hbm>>, %arg3: memref<32x80x125xi32, #tpu.memory_space<hbm>>, %arg4: memref<16x80x125xi32, #tpu.memory_space<hbm>>, %arg5: memref<10112x128xf32, #tpu.memory_space<hbm>>, %arg6: memref<20224x128xf32, #tpu.memory_space<hbm>>, %arg7: memref<80x125xi32, #tpu.memory_space<vmem>>, %arg8: memref<80x125xi32, #tpu.memory_space<vmem>>, %arg9: memref<125x128xf32, #tpu.memory_space<vmem>>, %arg10: memref<10112x128xf32, #tpu.memory_space<vmem_shared>>, %arg11: memref<!tpu.dma_semaphore, #tpu.memory_space<semaphore_mem>>) attributes {dimension_semantics = [#tpu.dimension_semantics<core_parallel>, #tpu.dimension_semantics<subcore_parallel>], iteration_bounds = array<i64: 2, 16>, scalar_prefetch = 0 : i64, scratch_operands = 5 : i64, tpu.core_type = #tpu.core_type<sc_vector_subcore>, window_params = [{transform_indices = #map}, {transform_indices = #map1}, {transform_indices = #map1}, {transform_indices = #map}, {transform_indices = #map}]} {
    %mul3A = arith.constant 632 : i32
    %mul3A_0 = arith.muli %arg1, %mul3A : i32
    %mul3A_1 = arith.constant 632 : i32
    %mul3A_2 = arith.muli %arg1, %mul3A_1 : i32
    "tpu.region"() ({
      %run_scoped3A = tpu.sem_alloc : memref<!tpu.dma_semaphore, #tpu.memory_space<semaphore_mem>>
      %dma_start3A = arith.constant 0 : i32
      %dma_start3A_18 = tpu.memref_slice %arg10[%mul3A_2, %dma_start3A] : memref<10112x128xf32, #tpu.memory_space<vmem_shared>> -> memref<632x128xf32, #tpu.memory_space<vmem_shared>>
      %dma_start3A_19 = arith.constant 0 : i32
      %dma_start3A_20 = tpu.memref_slice %arg5[%mul3A_0, %dma_start3A_19] : memref<10112x128xf32, #tpu.memory_space<hbm>> -> memref<632x128xf32, #tpu.memory_space<hbm>>
      tpu.enqueue_dma source(%dma_start3A_20 : memref<632x128xf32, #tpu.memory_space<hbm>>) target(%dma_start3A_18 : memref<632x128xf32, #tpu.memory_space<vmem_shared>>) target_semaphore(%run_scoped3A : memref<!tpu.dma_semaphore, #tpu.memory_space<semaphore_mem>>)
      %dma_wait3A = arith.constant 0 : i32
      %dma_wait3A_21 = tpu.memref_slice %arg10[%mul3A_2, %dma_wait3A] : memref<10112x128xf32, #tpu.memory_space<vmem_shared>> -> memref<632x128xf32, #tpu.memory_space<vmem_shared>>
      %dma_wait3A_22 = arith.constant 0 : i32
      %dma_wait3A_23 = tpu.memref_slice %arg5[%mul3A_0, %dma_wait3A_22] : memref<10112x128xf32, #tpu.memory_space<hbm>> -> memref<632x128xf32, #tpu.memory_space<hbm>>
      tpu.wait_dma2 semaphore(%run_scoped3A : memref<!tpu.dma_semaphore, #tpu.memory_space<semaphore_mem>>) src(%dma_wait3A_23 : memref<632x128xf32, #tpu.memory_space<hbm>>) dst(%dma_wait3A_21 : memref<632x128xf32, #tpu.memory_space<vmem_shared>>)
      tpu.yield
    }) : () -> ()
    %mul3A_3 = arith.constant 16 : i32
    %mul3A_4 = arith.muli %arg0, %mul3A_3 : i32
    %add3A = arith.addi %mul3A_4, %arg1 : i32
    "tpu.region"() ({
      %run_scoped3A = tpu.sem_alloc : memref<!tpu.dma_semaphore, #tpu.memory_space<semaphore_mem>>
      %dma_start3A = arith.constant 0 : i32
      %dma_start3A_18 = arith.constant 0 : i32
      %dma_start3A_19 = tpu.memref_slice %arg3[%add3A, %dma_start3A, %dma_start3A_18] : memref<32x80x125xi32, #tpu.memory_space<hbm>> -> memref<1x80x125xi32, #tpu.memory_space<hbm>>
      %dma_start3A_20 = tpu.memref_squeeze %dma_start3A_19 : memref<1x80x125xi32, #tpu.memory_space<hbm>> -> memref<80x125xi32, #tpu.memory_space<hbm>>
      %dma_start3A_21 = arith.constant 0 : i32
      %dma_start3A_22 = arith.constant 0 : i32
      %dma_start3A_23 = tpu.memref_slice %arg3[%add3A, %dma_start3A_21, %dma_start3A_22] : memref<32x80x125xi32, #tpu.memory_space<hbm>> -> memref<1x80x125xi32, #tpu.memory_space<hbm>>
      %dma_start3A_24 = tpu.memref_squeeze %dma_start3A_23 : memref<1x80x125xi32, #tpu.memory_space<hbm>> -> memref<80x125xi32, #tpu.memory_space<hbm>>
      tpu.enqueue_dma source(%dma_start3A_24 : memref<80x125xi32, #tpu.memory_space<hbm>>) target(%arg7 : memref<80x125xi32, #tpu.memory_space<vmem>>) target_semaphore(%run_scoped3A : memref<!tpu.dma_semaphore, #tpu.memory_space<semaphore_mem>>)
      %dma_wait3A = arith.constant 0 : i32
      %dma_wait3A_25 = arith.constant 0 : i32
      %dma_wait3A_26 = tpu.memref_slice %arg3[%add3A, %dma_wait3A, %dma_wait3A_25] : memref<32x80x125xi32, #tpu.memory_space<hbm>> -> memref<1x80x125xi32, #tpu.memory_space<hbm>>
      %dma_wait3A_27 = tpu.memref_squeeze %dma_wait3A_26 : memref<1x80x125xi32, #tpu.memory_space<hbm>> -> memref<80x125xi32, #tpu.memory_space<hbm>>
      %dma_wait3A_28 = arith.constant 0 : i32
      %dma_wait3A_29 = arith.constant 0 : i32
      %dma_wait3A_30 = tpu.memref_slice %arg3[%add3A, %dma_wait3A_28, %dma_wait3A_29] : memref<32x80x125xi32, #tpu.memory_space<hbm>> -> memref<1x80x125xi32, #tpu.memory_space<hbm>>
      %dma_wait3A_31 = tpu.memref_squeeze %dma_wait3A_30 : memref<1x80x125xi32, #tpu.memory_space<hbm>> -> memref<80x125xi32, #tpu.memory_space<hbm>>
      tpu.wait_dma2 semaphore(%run_scoped3A : memref<!tpu.dma_semaphore, #tpu.memory_space<semaphore_mem>>) src(%dma_wait3A_31 : memref<80x125xi32, #tpu.memory_space<hbm>>) dst(%arg7 : memref<80x125xi32, #tpu.memory_space<vmem>>)
      tpu.yield
    }) : () -> ()
    "tpu.region"() ({
      %run_scoped3A = tpu.sem_alloc : memref<!tpu.dma_semaphore, #tpu.memory_space<semaphore_mem>>
      %dma_start3A = arith.constant 0 : i32
      %dma_start3A_18 = arith.constant 0 : i32
      %dma_start3A_19 = tpu.memref_slice %arg4[%arg1, %dma_start3A, %dma_start3A_18] : memref<16x80x125xi32, #tpu.memory_space<hbm>> -> memref<1x80x125xi32, #tpu.memory_space<hbm>>
      %dma_start3A_20 = tpu.memref_squeeze %dma_start3A_19 : memref<1x80x125xi32, #tpu.memory_space<hbm>> -> memref<80x125xi32, #tpu.memory_space<hbm>>
      %dma_start3A_21 = arith.constant 0 : i32
      %dma_start3A_22 = arith.constant 0 : i32
      %dma_start3A_23 = tpu.memref_slice %arg4[%arg1, %dma_start3A_21, %dma_start3A_22] : memref<16x80x125xi32, #tpu.memory_space<hbm>> -> memref<1x80x125xi32, #tpu.memory_space<hbm>>
      %dma_start3A_24 = tpu.memref_squeeze %dma_start3A_23 : memref<1x80x125xi32, #tpu.memory_space<hbm>> -> memref<80x125xi32, #tpu.memory_space<hbm>>
      tpu.enqueue_dma source(%dma_start3A_24 : memref<80x125xi32, #tpu.memory_space<hbm>>) target(%arg8 : memref<80x125xi32, #tpu.memory_space<vmem>>) target_semaphore(%run_scoped3A : memref<!tpu.dma_semaphore, #tpu.memory_space<semaphore_mem>>)
      %dma_wait3A = arith.constant 0 : i32
      %dma_wait3A_25 = arith.constant 0 : i32
      %dma_wait3A_26 = tpu.memref_slice %arg4[%arg1, %dma_wait3A, %dma_wait3A_25] : memref<16x80x125xi32, #tpu.memory_space<hbm>> -> memref<1x80x125xi32, #tpu.memory_space<hbm>>
      %dma_wait3A_27 = tpu.memref_squeeze %dma_wait3A_26 : memref<1x80x125xi32, #tpu.memory_space<hbm>> -> memref<80x125xi32, #tpu.memory_space<hbm>>
      %dma_wait3A_28 = arith.constant 0 : i32
      %dma_wait3A_29 = arith.constant 0 : i32
      %dma_wait3A_30 = tpu.memref_slice %arg4[%arg1, %dma_wait3A_28, %dma_wait3A_29] : memref<16x80x125xi32, #tpu.memory_space<hbm>> -> memref<1x80x125xi32, #tpu.memory_space<hbm>>
      %dma_wait3A_31 = tpu.memref_squeeze %dma_wait3A_30 : memref<1x80x125xi32, #tpu.memory_space<hbm>> -> memref<80x125xi32, #tpu.memory_space<hbm>>
      tpu.wait_dma2 semaphore(%run_scoped3A : memref<!tpu.dma_semaphore, #tpu.memory_space<semaphore_mem>>) src(%dma_wait3A_31 : memref<80x125xi32, #tpu.memory_space<hbm>>) dst(%arg8 : memref<80x125xi32, #tpu.memory_space<vmem>>)
      tpu.yield
    }) : () -> ()
    %barrier3A = arith.constant 0 : index
    tpu.barrier barrier_id(%barrier3A)
    %scan3A = arith.constant 0 : i32
    %scan3A_5 = arith.constant 0 : i32
    %scan3A_6 = arith.constant 80 : i32
    %scan3A_7 = arith.addi %scan3A_5, %scan3A_6 : i32
    %scan3A_8 = arith.constant 1 : i32
    scf.for %scan3A_18 = %scan3A_5 to %scan3A_7 step %scan3A_8  : i32 {
      %dma_start3A = arith.constant 0 : i32
      %dma_start3A_19 = tpu.memref_slice %arg7[%scan3A_18, %dma_start3A] : memref<80x125xi32, #tpu.memory_space<vmem>> -> memref<1x125xi32, #tpu.memory_space<vmem>>
      %dma_start3A_20 = tpu.memref_squeeze %dma_start3A_19 : memref<1x125xi32, #tpu.memory_space<vmem>> -> memref<125xi32, #tpu.memory_space<vmem>>
      %dma_start3A_21 = arith.constant 0 : i32
      %dma_start3A_22 = arith.constant 0 : i32
      %dma_start3A_23 = tpu.memref_slice %arg2[%dma_start3A_21, %dma_start3A_22] : memref<20000x128xf32, #tpu.memory_space<hbm>> -> memref<20000x128xf32, #tpu.memory_space<hbm>>
      tpu.enqueue_indirect_dma source(%dma_start3A_23 : memref<20000x128xf32, #tpu.memory_space<hbm>>) target(%arg9 : memref<125x128xf32, #tpu.memory_space<vmem>>) offsets(%dma_start3A_20 : memref<125xi32, #tpu.memory_space<vmem>>) semaphore(%arg11 : memref<!tpu.dma_semaphore, #tpu.memory_space<semaphore_mem>>)
      %dma_wait3A = arith.constant 0 : i32
      %dma_wait3A_24 = tpu.memref_slice %arg7[%scan3A_18, %dma_wait3A] : memref<80x125xi32, #tpu.memory_space<vmem>> -> memref<1x125xi32, #tpu.memory_space<vmem>>
      %dma_wait3A_25 = tpu.memref_squeeze %dma_wait3A_24 : memref<1x125xi32, #tpu.memory_space<vmem>> -> memref<125xi32, #tpu.memory_space<vmem>>
      %dma_wait3A_26 = arith.constant 0 : i32
      %dma_wait3A_27 = arith.constant 0 : i32
      %dma_wait3A_28 = tpu.memref_slice %arg2[%dma_wait3A_26, %dma_wait3A_27] : memref<20000x128xf32, #tpu.memory_space<hbm>> -> memref<20000x128xf32, #tpu.memory_space<hbm>>
      tpu.wait_indirect_dma semaphore(%arg11 : memref<!tpu.dma_semaphore, #tpu.memory_space<semaphore_mem>>) src(%dma_wait3A_28 : memref<20000x128xf32, #tpu.memory_space<hbm>>) dst(%arg9 : memref<125x128xf32, #tpu.memory_space<vmem>>)
      "tpu.region"() ({
        %run_scoped3A = tpu.sem_alloc : memref<!tpu.dma_semaphore, #tpu.memory_space<semaphore_mem>>
        %dma_start3A_29 = arith.constant 0 : i32
        %dma_start3A_30 = tpu.memref_slice %arg8[%scan3A_18, %dma_start3A_29] : memref<80x125xi32, #tpu.memory_space<vmem>> -> memref<1x125xi32, #tpu.memory_space<vmem>>
        %dma_start3A_31 = tpu.memref_squeeze %dma_start3A_30 : memref<1x125xi32, #tpu.memory_space<vmem>> -> memref<125xi32, #tpu.memory_space<vmem>>
        %dma_start3A_32 = arith.constant 0 : i32
        %dma_start3A_33 = arith.constant 0 : i32
        %dma_start3A_34 = tpu.memref_slice %arg10[%dma_start3A_32, %dma_start3A_33] : memref<10112x128xf32, #tpu.memory_space<vmem_shared>> -> memref<10112x128xf32, #tpu.memory_space<vmem_shared>>
        tpu.enqueue_indirect_dma source(%arg9 : memref<125x128xf32, #tpu.memory_space<vmem>>) target(%dma_start3A_34 : memref<10112x128xf32, #tpu.memory_space<vmem_shared>>) offsets(%dma_start3A_31 : memref<125xi32, #tpu.memory_space<vmem>>) semaphore(%run_scoped3A : memref<!tpu.dma_semaphore, #tpu.memory_space<semaphore_mem>>) {add = true}
        %dma_wait3A_35 = arith.constant 0 : i32
        %dma_wait3A_36 = tpu.memref_slice %arg8[%scan3A_18, %dma_wait3A_35] : memref<80x125xi32, #tpu.memory_space<vmem>> -> memref<1x125xi32, #tpu.memory_space<vmem>>
        %dma_wait3A_37 = tpu.memref_squeeze %dma_wait3A_36 : memref<1x125xi32, #tpu.memory_space<vmem>> -> memref<125xi32, #tpu.memory_space<vmem>>
        %dma_wait3A_38 = arith.constant 0 : i32
        %dma_wait3A_39 = arith.constant 0 : i32
        %dma_wait3A_40 = tpu.memref_slice %arg10[%dma_wait3A_38, %dma_wait3A_39] : memref<10112x128xf32, #tpu.memory_space<vmem_shared>> -> memref<10112x128xf32, #tpu.memory_space<vmem_shared>>
        tpu.wait_indirect_dma semaphore(%run_scoped3A : memref<!tpu.dma_semaphore, #tpu.memory_space<semaphore_mem>>) src(%arg9 : memref<125x128xf32, #tpu.memory_space<vmem>>) dst(%dma_wait3A_40 : memref<10112x128xf32, #tpu.memory_space<vmem_shared>>)
        tpu.yield
      }) : () -> ()
    }
    %scan3A_9 = arith.constant 80 : i32
    %barrier3A_10 = arith.constant 0 : index
    tpu.barrier barrier_id(%barrier3A_10)
    %mul3A_11 = arith.constant 632 : i32
    %mul3A_12 = arith.muli %arg1, %mul3A_11 : i32
    %mul3A_13 = arith.constant 10112 : i32
    %mul3A_14 = arith.muli %arg0, %mul3A_13 : i32
    %mul3A_15 = arith.constant 632 : i32
    %mul3A_16 = arith.muli %arg1, %mul3A_15 : i32
    %add3A_17 = arith.addi %mul3A_14, %mul3A_16 : i32
    "tpu.region"() ({
      %run_scoped3A = tpu.sem_alloc : memref<!tpu.dma_semaphore, #tpu.memory_space<semaphore_mem>>
      %dma_start3A = arith.constant 0 : i32
      %dma_start3A_18 = tpu.memref_slice %arg6[%add3A_17, %dma_start3A] : memref<20224x128xf32, #tpu.memory_space<hbm>> -> memref<632x128xf32, #tpu.memory_space<hbm>>
      %dma_start3A_19 = arith.constant 0 : i32
      %dma_start3A_20 = tpu.memref_slice %arg10[%mul3A_12, %dma_start3A_19] : memref<10112x128xf32, #tpu.memory_space<vmem_shared>> -> memref<632x128xf32, #tpu.memory_space<vmem_shared>>
      tpu.enqueue_dma source(%dma_start3A_20 : memref<632x128xf32, #tpu.memory_space<vmem_shared>>) target(%dma_start3A_18 : memref<632x128xf32, #tpu.memory_space<hbm>>) target_semaphore(%run_scoped3A : memref<!tpu.dma_semaphore, #tpu.memory_space<semaphore_mem>>)
      %dma_wait3A = arith.constant 0 : i32
      %dma_wait3A_21 = tpu.memref_slice %arg6[%add3A_17, %dma_wait3A] : memref<20224x128xf32, #tpu.memory_space<hbm>> -> memref<632x128xf32, #tpu.memory_space<hbm>>
      %dma_wait3A_22 = arith.constant 0 : i32
      %dma_wait3A_23 = tpu.memref_slice %arg10[%mul3A_12, %dma_wait3A_22] : memref<10112x128xf32, #tpu.memory_space<vmem_shared>> -> memref<632x128xf32, #tpu.memory_space<vmem_shared>>
      tpu.wait_dma2 semaphore(%run_scoped3A : memref<!tpu.dma_semaphore, #tpu.memory_space<semaphore_mem>>) src(%dma_wait3A_23 : memref<632x128xf32, #tpu.memory_space<vmem_shared>>) dst(%dma_wait3A_21 : memref<632x128xf32, #tpu.memory_space<hbm>>)
      tpu.yield
    }) : () -> ()
    return
  }
}

#map = affine_map<(d0, d1) -> (0, 0)>
#map1 = affine_map<(d0, d1) -> (0, 0, 0)>
module attributes {stable_mosaic.version = 14 : i64} {
  func.func @_sc_agg(%arg0: i32, %arg1: i32, %arg2: memref<20000x128xf32, #tpu.memory_space<hbm>>, %arg3: memref<32x80x125xi32, #tpu.memory_space<hbm>>, %arg4: memref<16x80x125xi32, #tpu.memory_space<hbm>>, %arg5: memref<10112x128xf32, #tpu.memory_space<hbm>>, %arg6: memref<20224x128xf32, #tpu.memory_space<hbm>>, %arg7: memref<80x125xi32, #tpu.memory_space<vmem>>, %arg8: memref<80x125xi32, #tpu.memory_space<vmem>>, %arg9: memref<125x128xf32, #tpu.memory_space<vmem>>, %arg10: memref<10112x128xf32, #tpu.memory_space<vmem_shared>>, %arg11: memref<!tpu.dma_semaphore, #tpu.memory_space<semaphore_mem>>) attributes {dimension_semantics = [#tpu.dimension_semantics<core_parallel>, #tpu.dimension_semantics<subcore_parallel>], iteration_bounds = array<i64: 2, 16>, scalar_prefetch = 0 : i64, scratch_operands = 5 : i64, tpu.core_type = #tpu.core_type<sc_vector_subcore>, window_params = [{transform_indices = #map}, {transform_indices = #map1}, {transform_indices = #map1}, {transform_indices = #map}, {transform_indices = #map}]} {
    %mul3A = arith.constant 632 : i32
    %mul3A_0 = arith.muli %arg1, %mul3A : i32
    %mul3A_1 = arith.constant 632 : i32
    %mul3A_2 = arith.muli %arg1, %mul3A_1 : i32
    "tpu.region"() ({
      %run_scoped3A = tpu.sem_alloc : memref<!tpu.dma_semaphore, #tpu.memory_space<semaphore_mem>>
      %dma_start3A = arith.constant 0 : i32
      %dma_start3A_18 = tpu.memref_slice %arg10[%mul3A_2, %dma_start3A] : memref<10112x128xf32, #tpu.memory_space<vmem_shared>> -> memref<632x128xf32, #tpu.memory_space<vmem_shared>>
      %dma_start3A_19 = arith.constant 0 : i32
      %dma_start3A_20 = tpu.memref_slice %arg5[%mul3A_0, %dma_start3A_19] : memref<10112x128xf32, #tpu.memory_space<hbm>> -> memref<632x128xf32, #tpu.memory_space<hbm>>
      tpu.enqueue_dma source(%dma_start3A_20 : memref<632x128xf32, #tpu.memory_space<hbm>>) target(%dma_start3A_18 : memref<632x128xf32, #tpu.memory_space<vmem_shared>>) target_semaphore(%run_scoped3A : memref<!tpu.dma_semaphore, #tpu.memory_space<semaphore_mem>>)
      %dma_wait3A = arith.constant 0 : i32
      %dma_wait3A_21 = tpu.memref_slice %arg10[%mul3A_2, %dma_wait3A] : memref<10112x128xf32, #tpu.memory_space<vmem_shared>> -> memref<632x128xf32, #tpu.memory_space<vmem_shared>>
      %dma_wait3A_22 = arith.constant 0 : i32
      %dma_wait3A_23 = tpu.memref_slice %arg5[%mul3A_0, %dma_wait3A_22] : memref<10112x128xf32, #tpu.memory_space<hbm>> -> memref<632x128xf32, #tpu.memory_space<hbm>>
      tpu.wait_dma2 semaphore(%run_scoped3A : memref<!tpu.dma_semaphore, #tpu.memory_space<semaphore_mem>>) src(%dma_wait3A_23 : memref<632x128xf32, #tpu.memory_space<hbm>>) dst(%dma_wait3A_21 : memref<632x128xf32, #tpu.memory_space<vmem_shared>>)
      tpu.yield
    }) : () -> ()
    %mul3A_3 = arith.constant 16 : i32
    %mul3A_4 = arith.muli %arg0, %mul3A_3 : i32
    %add3A = arith.addi %mul3A_4, %arg1 : i32
    "tpu.region"() ({
      %run_scoped3A = tpu.sem_alloc : memref<!tpu.dma_semaphore, #tpu.memory_space<semaphore_mem>>
      %dma_start3A = arith.constant 0 : i32
      %dma_start3A_18 = arith.constant 0 : i32
      %dma_start3A_19 = tpu.memref_slice %arg3[%add3A, %dma_start3A, %dma_start3A_18] : memref<32x80x125xi32, #tpu.memory_space<hbm>> -> memref<1x80x125xi32, #tpu.memory_space<hbm>>
      %dma_start3A_20 = tpu.memref_squeeze %dma_start3A_19 : memref<1x80x125xi32, #tpu.memory_space<hbm>> -> memref<80x125xi32, #tpu.memory_space<hbm>>
      %dma_start3A_21 = arith.constant 0 : i32
      %dma_start3A_22 = arith.constant 0 : i32
      %dma_start3A_23 = tpu.memref_slice %arg3[%add3A, %dma_start3A_21, %dma_start3A_22] : memref<32x80x125xi32, #tpu.memory_space<hbm>> -> memref<1x80x125xi32, #tpu.memory_space<hbm>>
      %dma_start3A_24 = tpu.memref_squeeze %dma_start3A_23 : memref<1x80x125xi32, #tpu.memory_space<hbm>> -> memref<80x125xi32, #tpu.memory_space<hbm>>
      tpu.enqueue_dma source(%dma_start3A_24 : memref<80x125xi32, #tpu.memory_space<hbm>>) target(%arg7 : memref<80x125xi32, #tpu.memory_space<vmem>>) target_semaphore(%run_scoped3A : memref<!tpu.dma_semaphore, #tpu.memory_space<semaphore_mem>>)
      %dma_wait3A = arith.constant 0 : i32
      %dma_wait3A_25 = arith.constant 0 : i32
      %dma_wait3A_26 = tpu.memref_slice %arg3[%add3A, %dma_wait3A, %dma_wait3A_25] : memref<32x80x125xi32, #tpu.memory_space<hbm>> -> memref<1x80x125xi32, #tpu.memory_space<hbm>>
      %dma_wait3A_27 = tpu.memref_squeeze %dma_wait3A_26 : memref<1x80x125xi32, #tpu.memory_space<hbm>> -> memref<80x125xi32, #tpu.memory_space<hbm>>
      %dma_wait3A_28 = arith.constant 0 : i32
      %dma_wait3A_29 = arith.constant 0 : i32
      %dma_wait3A_30 = tpu.memref_slice %arg3[%add3A, %dma_wait3A_28, %dma_wait3A_29] : memref<32x80x125xi32, #tpu.memory_space<hbm>> -> memref<1x80x125xi32, #tpu.memory_space<hbm>>
      %dma_wait3A_31 = tpu.memref_squeeze %dma_wait3A_30 : memref<1x80x125xi32, #tpu.memory_space<hbm>> -> memref<80x125xi32, #tpu.memory_space<hbm>>
      tpu.wait_dma2 semaphore(%run_scoped3A : memref<!tpu.dma_semaphore, #tpu.memory_space<semaphore_mem>>) src(%dma_wait3A_31 : memref<80x125xi32, #tpu.memory_space<hbm>>) dst(%arg7 : memref<80x125xi32, #tpu.memory_space<vmem>>)
      tpu.yield
    }) : () -> ()
    "tpu.region"() ({
      %run_scoped3A = tpu.sem_alloc : memref<!tpu.dma_semaphore, #tpu.memory_space<semaphore_mem>>
      %dma_start3A = arith.constant 0 : i32
      %dma_start3A_18 = arith.constant 0 : i32
      %dma_start3A_19 = tpu.memref_slice %arg4[%arg1, %dma_start3A, %dma_start3A_18] : memref<16x80x125xi32, #tpu.memory_space<hbm>> -> memref<1x80x125xi32, #tpu.memory_space<hbm>>
      %dma_start3A_20 = tpu.memref_squeeze %dma_start3A_19 : memref<1x80x125xi32, #tpu.memory_space<hbm>> -> memref<80x125xi32, #tpu.memory_space<hbm>>
      %dma_start3A_21 = arith.constant 0 : i32
      %dma_start3A_22 = arith.constant 0 : i32
      %dma_start3A_23 = tpu.memref_slice %arg4[%arg1, %dma_start3A_21, %dma_start3A_22] : memref<16x80x125xi32, #tpu.memory_space<hbm>> -> memref<1x80x125xi32, #tpu.memory_space<hbm>>
      %dma_start3A_24 = tpu.memref_squeeze %dma_start3A_23 : memref<1x80x125xi32, #tpu.memory_space<hbm>> -> memref<80x125xi32, #tpu.memory_space<hbm>>
      tpu.enqueue_dma source(%dma_start3A_24 : memref<80x125xi32, #tpu.memory_space<hbm>>) target(%arg8 : memref<80x125xi32, #tpu.memory_space<vmem>>) target_semaphore(%run_scoped3A : memref<!tpu.dma_semaphore, #tpu.memory_space<semaphore_mem>>)
      %dma_wait3A = arith.constant 0 : i32
      %dma_wait3A_25 = arith.constant 0 : i32
      %dma_wait3A_26 = tpu.memref_slice %arg4[%arg1, %dma_wait3A, %dma_wait3A_25] : memref<16x80x125xi32, #tpu.memory_space<hbm>> -> memref<1x80x125xi32, #tpu.memory_space<hbm>>
      %dma_wait3A_27 = tpu.memref_squeeze %dma_wait3A_26 : memref<1x80x125xi32, #tpu.memory_space<hbm>> -> memref<80x125xi32, #tpu.memory_space<hbm>>
      %dma_wait3A_28 = arith.constant 0 : i32
      %dma_wait3A_29 = arith.constant 0 : i32
      %dma_wait3A_30 = tpu.memref_slice %arg4[%arg1, %dma_wait3A_28, %dma_wait3A_29] : memref<16x80x125xi32, #tpu.memory_space<hbm>> -> memref<1x80x125xi32, #tpu.memory_space<hbm>>
      %dma_wait3A_31 = tpu.memref_squeeze %dma_wait3A_30 : memref<1x80x125xi32, #tpu.memory_space<hbm>> -> memref<80x125xi32, #tpu.memory_space<hbm>>
      tpu.wait_dma2 semaphore(%run_scoped3A : memref<!tpu.dma_semaphore, #tpu.memory_space<semaphore_mem>>) src(%dma_wait3A_31 : memref<80x125xi32, #tpu.memory_space<hbm>>) dst(%arg8 : memref<80x125xi32, #tpu.memory_space<vmem>>)
      tpu.yield
    }) : () -> ()
    %barrier3A = arith.constant 0 : index
    tpu.barrier barrier_id(%barrier3A)
    %scan3A = arith.constant 0 : i32
    %scan3A_5 = arith.constant 0 : i32
    %scan3A_6 = arith.constant 80 : i32
    %scan3A_7 = arith.addi %scan3A_5, %scan3A_6 : i32
    %scan3A_8 = arith.constant 1 : i32
    scf.for %scan3A_18 = %scan3A_5 to %scan3A_7 step %scan3A_8  : i32 {
      %dma_start3A = arith.constant 0 : i32
      %dma_start3A_19 = tpu.memref_slice %arg7[%scan3A_18, %dma_start3A] : memref<80x125xi32, #tpu.memory_space<vmem>> -> memref<1x125xi32, #tpu.memory_space<vmem>>
      %dma_start3A_20 = tpu.memref_squeeze %dma_start3A_19 : memref<1x125xi32, #tpu.memory_space<vmem>> -> memref<125xi32, #tpu.memory_space<vmem>>
      %dma_start3A_21 = arith.constant 0 : i32
      %dma_start3A_22 = arith.constant 0 : i32
      %dma_start3A_23 = tpu.memref_slice %arg2[%dma_start3A_21, %dma_start3A_22] : memref<20000x128xf32, #tpu.memory_space<hbm>> -> memref<20000x128xf32, #tpu.memory_space<hbm>>
      tpu.enqueue_indirect_dma source(%dma_start3A_23 : memref<20000x128xf32, #tpu.memory_space<hbm>>) target(%arg9 : memref<125x128xf32, #tpu.memory_space<vmem>>) offsets(%dma_start3A_20 : memref<125xi32, #tpu.memory_space<vmem>>) semaphore(%arg11 : memref<!tpu.dma_semaphore, #tpu.memory_space<semaphore_mem>>)
      %dma_wait3A = arith.constant 0 : i32
      %dma_wait3A_24 = tpu.memref_slice %arg7[%scan3A_18, %dma_wait3A] : memref<80x125xi32, #tpu.memory_space<vmem>> -> memref<1x125xi32, #tpu.memory_space<vmem>>
      %dma_wait3A_25 = tpu.memref_squeeze %dma_wait3A_24 : memref<1x125xi32, #tpu.memory_space<vmem>> -> memref<125xi32, #tpu.memory_space<vmem>>
      %dma_wait3A_26 = arith.constant 0 : i32
      %dma_wait3A_27 = arith.constant 0 : i32
      %dma_wait3A_28 = tpu.memref_slice %arg2[%dma_wait3A_26, %dma_wait3A_27] : memref<20000x128xf32, #tpu.memory_space<hbm>> -> memref<20000x128xf32, #tpu.memory_space<hbm>>
      tpu.wait_indirect_dma semaphore(%arg11 : memref<!tpu.dma_semaphore, #tpu.memory_space<semaphore_mem>>) src(%dma_wait3A_28 : memref<20000x128xf32, #tpu.memory_space<hbm>>) dst(%arg9 : memref<125x128xf32, #tpu.memory_space<vmem>>)
      "tpu.region"() ({
        %run_scoped3A = tpu.sem_alloc : memref<!tpu.dma_semaphore, #tpu.memory_space<semaphore_mem>>
        %dma_start3A_29 = arith.constant 0 : i32
        %dma_start3A_30 = tpu.memref_slice %arg8[%scan3A_18, %dma_start3A_29] : memref<80x125xi32, #tpu.memory_space<vmem>> -> memref<1x125xi32, #tpu.memory_space<vmem>>
        %dma_start3A_31 = tpu.memref_squeeze %dma_start3A_30 : memref<1x125xi32, #tpu.memory_space<vmem>> -> memref<125xi32, #tpu.memory_space<vmem>>
        %dma_start3A_32 = arith.constant 0 : i32
        %dma_start3A_33 = arith.constant 0 : i32
        %dma_start3A_34 = tpu.memref_slice %arg10[%dma_start3A_32, %dma_start3A_33] : memref<10112x128xf32, #tpu.memory_space<vmem_shared>> -> memref<10112x128xf32, #tpu.memory_space<vmem_shared>>
        tpu.enqueue_indirect_dma source(%arg9 : memref<125x128xf32, #tpu.memory_space<vmem>>) target(%dma_start3A_34 : memref<10112x128xf32, #tpu.memory_space<vmem_shared>>) offsets(%dma_start3A_31 : memref<125xi32, #tpu.memory_space<vmem>>) semaphore(%run_scoped3A : memref<!tpu.dma_semaphore, #tpu.memory_space<semaphore_mem>>) {add = true}
        %dma_wait3A_35 = arith.constant 0 : i32
        %dma_wait3A_36 = tpu.memref_slice %arg8[%scan3A_18, %dma_wait3A_35] : memref<80x125xi32, #tpu.memory_space<vmem>> -> memref<1x125xi32, #tpu.memory_space<vmem>>
        %dma_wait3A_37 = tpu.memref_squeeze %dma_wait3A_36 : memref<1x125xi32, #tpu.memory_space<vmem>> -> memref<125xi32, #tpu.memory_space<vmem>>
        %dma_wait3A_38 = arith.constant 0 : i32
        %dma_wait3A_39 = arith.constant 0 : i32
        %dma_wait3A_40 = tpu.memref_slice %arg10[%dma_wait3A_38, %dma_wait3A_39] : memref<10112x128xf32, #tpu.memory_space<vmem_shared>> -> memref<10112x128xf32, #tpu.memory_space<vmem_shared>>
        tpu.wait_indirect_dma semaphore(%run_scoped3A : memref<!tpu.dma_semaphore, #tpu.memory_space<semaphore_mem>>) src(%arg9 : memref<125x128xf32, #tpu.memory_space<vmem>>) dst(%dma_wait3A_40 : memref<10112x128xf32, #tpu.memory_space<vmem_shared>>)
        tpu.yield
      }) : () -> ()
    }
    %scan3A_9 = arith.constant 80 : i32
    %barrier3A_10 = arith.constant 0 : index
    tpu.barrier barrier_id(%barrier3A_10)
    %mul3A_11 = arith.constant 632 : i32
    %mul3A_12 = arith.muli %arg1, %mul3A_11 : i32
    %mul3A_13 = arith.constant 10112 : i32
    %mul3A_14 = arith.muli %arg0, %mul3A_13 : i32
    %mul3A_15 = arith.constant 632 : i32
    %mul3A_16 = arith.muli %arg1, %mul3A_15 : i32
    %add3A_17 = arith.addi %mul3A_14, %mul3A_16 : i32
    "tpu.region"() ({
      %run_scoped3A = tpu.sem_alloc : memref<!tpu.dma_semaphore, #tpu.memory_space<semaphore_mem>>
      %dma_start3A = arith.constant 0 : i32
      %dma_start3A_18 = tpu.memref_slice %arg6[%add3A_17, %dma_start3A] : memref<20224x128xf32, #tpu.memory_space<hbm>> -> memref<632x128xf32, #tpu.memory_space<hbm>>
      %dma_start3A_19 = arith.constant 0 : i32
      %dma_start3A_20 = tpu.memref_slice %arg10[%mul3A_12, %dma_start3A_19] : memref<10112x128xf32, #tpu.memory_space<vmem_shared>> -> memref<632x128xf32, #tpu.memory_space<vmem_shared>>
      tpu.enqueue_dma source(%dma_start3A_20 : memref<632x128xf32, #tpu.memory_space<vmem_shared>>) target(%dma_start3A_18 : memref<632x128xf32, #tpu.memory_space<hbm>>) target_semaphore(%run_scoped3A : memref<!tpu.dma_semaphore, #tpu.memory_space<semaphore_mem>>)
      %dma_wait3A = arith.constant 0 : i32
      %dma_wait3A_21 = tpu.memref_slice %arg6[%add3A_17, %dma_wait3A] : memref<20224x128xf32, #tpu.memory_space<hbm>> -> memref<632x128xf32, #tpu.memory_space<hbm>>
      %dma_wait3A_22 = arith.constant 0 : i32
      %dma_wait3A_23 = tpu.memref_slice %arg10[%mul3A_12, %dma_wait3A_22] : memref<10112x128xf32, #tpu.memory_space<vmem_shared>> -> memref<632x128xf32, #tpu.memory_space<vmem_shared>>
      tpu.wait_dma2 semaphore(%run_scoped3A : memref<!tpu.dma_semaphore, #tpu.memory_space<semaphore_mem>>) src(%dma_wait3A_23 : memref<632x128xf32, #tpu.memory_space<vmem_shared>>) dst(%dma_wait3A_21 : memref<632x128xf32, #tpu.memory_space<hbm>>)
      tpu.yield
    }) : () -> ()
    return
  }
}

#map = affine_map<(d0, d1) -> (0, 0)>
#map1 = affine_map<(d0, d1) -> (0, 0, 0)>
module attributes {stable_mosaic.version = 14 : i64} {
  func.func @_sc_agg(%arg0: i32, %arg1: i32, %arg2: memref<20000x128xf32, #tpu.memory_space<hbm>>, %arg3: memref<32x80x125xi32, #tpu.memory_space<hbm>>, %arg4: memref<16x80x125xi32, #tpu.memory_space<hbm>>, %arg5: memref<10112x128xf32, #tpu.memory_space<hbm>>, %arg6: memref<20224x128xf32, #tpu.memory_space<hbm>>, %arg7: memref<80x125xi32, #tpu.memory_space<vmem>>, %arg8: memref<80x125xi32, #tpu.memory_space<vmem>>, %arg9: memref<125x128xf32, #tpu.memory_space<vmem>>, %arg10: memref<10112x128xf32, #tpu.memory_space<vmem_shared>>, %arg11: memref<!tpu.dma_semaphore, #tpu.memory_space<semaphore_mem>>) attributes {dimension_semantics = [#tpu.dimension_semantics<core_parallel>, #tpu.dimension_semantics<subcore_parallel>], iteration_bounds = array<i64: 2, 16>, scalar_prefetch = 0 : i64, scratch_operands = 5 : i64, tpu.core_type = #tpu.core_type<sc_vector_subcore>, window_params = [{transform_indices = #map}, {transform_indices = #map1}, {transform_indices = #map1}, {transform_indices = #map}, {transform_indices = #map}]} {
    %mul3A = arith.constant 632 : i32
    %mul3A_0 = arith.muli %arg1, %mul3A : i32
    %mul3A_1 = arith.constant 632 : i32
    %mul3A_2 = arith.muli %arg1, %mul3A_1 : i32
    "tpu.region"() ({
      %run_scoped3A = tpu.sem_alloc : memref<!tpu.dma_semaphore, #tpu.memory_space<semaphore_mem>>
      %dma_start3A = arith.constant 0 : i32
      %dma_start3A_18 = tpu.memref_slice %arg10[%mul3A_2, %dma_start3A] : memref<10112x128xf32, #tpu.memory_space<vmem_shared>> -> memref<632x128xf32, #tpu.memory_space<vmem_shared>>
      %dma_start3A_19 = arith.constant 0 : i32
      %dma_start3A_20 = tpu.memref_slice %arg5[%mul3A_0, %dma_start3A_19] : memref<10112x128xf32, #tpu.memory_space<hbm>> -> memref<632x128xf32, #tpu.memory_space<hbm>>
      tpu.enqueue_dma source(%dma_start3A_20 : memref<632x128xf32, #tpu.memory_space<hbm>>) target(%dma_start3A_18 : memref<632x128xf32, #tpu.memory_space<vmem_shared>>) target_semaphore(%run_scoped3A : memref<!tpu.dma_semaphore, #tpu.memory_space<semaphore_mem>>)
      %dma_wait3A = arith.constant 0 : i32
      %dma_wait3A_21 = tpu.memref_slice %arg10[%mul3A_2, %dma_wait3A] : memref<10112x128xf32, #tpu.memory_space<vmem_shared>> -> memref<632x128xf32, #tpu.memory_space<vmem_shared>>
      %dma_wait3A_22 = arith.constant 0 : i32
      %dma_wait3A_23 = tpu.memref_slice %arg5[%mul3A_0, %dma_wait3A_22] : memref<10112x128xf32, #tpu.memory_space<hbm>> -> memref<632x128xf32, #tpu.memory_space<hbm>>
      tpu.wait_dma2 semaphore(%run_scoped3A : memref<!tpu.dma_semaphore, #tpu.memory_space<semaphore_mem>>) src(%dma_wait3A_23 : memref<632x128xf32, #tpu.memory_space<hbm>>) dst(%dma_wait3A_21 : memref<632x128xf32, #tpu.memory_space<vmem_shared>>)
      tpu.yield
    }) : () -> ()
    %mul3A_3 = arith.constant 16 : i32
    %mul3A_4 = arith.muli %arg0, %mul3A_3 : i32
    %add3A = arith.addi %mul3A_4, %arg1 : i32
    "tpu.region"() ({
      %run_scoped3A = tpu.sem_alloc : memref<!tpu.dma_semaphore, #tpu.memory_space<semaphore_mem>>
      %dma_start3A = arith.constant 0 : i32
      %dma_start3A_18 = arith.constant 0 : i32
      %dma_start3A_19 = tpu.memref_slice %arg3[%add3A, %dma_start3A, %dma_start3A_18] : memref<32x80x125xi32, #tpu.memory_space<hbm>> -> memref<1x80x125xi32, #tpu.memory_space<hbm>>
      %dma_start3A_20 = tpu.memref_squeeze %dma_start3A_19 : memref<1x80x125xi32, #tpu.memory_space<hbm>> -> memref<80x125xi32, #tpu.memory_space<hbm>>
      %dma_start3A_21 = arith.constant 0 : i32
      %dma_start3A_22 = arith.constant 0 : i32
      %dma_start3A_23 = tpu.memref_slice %arg3[%add3A, %dma_start3A_21, %dma_start3A_22] : memref<32x80x125xi32, #tpu.memory_space<hbm>> -> memref<1x80x125xi32, #tpu.memory_space<hbm>>
      %dma_start3A_24 = tpu.memref_squeeze %dma_start3A_23 : memref<1x80x125xi32, #tpu.memory_space<hbm>> -> memref<80x125xi32, #tpu.memory_space<hbm>>
      tpu.enqueue_dma source(%dma_start3A_24 : memref<80x125xi32, #tpu.memory_space<hbm>>) target(%arg7 : memref<80x125xi32, #tpu.memory_space<vmem>>) target_semaphore(%run_scoped3A : memref<!tpu.dma_semaphore, #tpu.memory_space<semaphore_mem>>)
      %dma_wait3A = arith.constant 0 : i32
      %dma_wait3A_25 = arith.constant 0 : i32
      %dma_wait3A_26 = tpu.memref_slice %arg3[%add3A, %dma_wait3A, %dma_wait3A_25] : memref<32x80x125xi32, #tpu.memory_space<hbm>> -> memref<1x80x125xi32, #tpu.memory_space<hbm>>
      %dma_wait3A_27 = tpu.memref_squeeze %dma_wait3A_26 : memref<1x80x125xi32, #tpu.memory_space<hbm>> -> memref<80x125xi32, #tpu.memory_space<hbm>>
      %dma_wait3A_28 = arith.constant 0 : i32
      %dma_wait3A_29 = arith.constant 0 : i32
      %dma_wait3A_30 = tpu.memref_slice %arg3[%add3A, %dma_wait3A_28, %dma_wait3A_29] : memref<32x80x125xi32, #tpu.memory_space<hbm>> -> memref<1x80x125xi32, #tpu.memory_space<hbm>>
      %dma_wait3A_31 = tpu.memref_squeeze %dma_wait3A_30 : memref<1x80x125xi32, #tpu.memory_space<hbm>> -> memref<80x125xi32, #tpu.memory_space<hbm>>
      tpu.wait_dma2 semaphore(%run_scoped3A : memref<!tpu.dma_semaphore, #tpu.memory_space<semaphore_mem>>) src(%dma_wait3A_31 : memref<80x125xi32, #tpu.memory_space<hbm>>) dst(%arg7 : memref<80x125xi32, #tpu.memory_space<vmem>>)
      tpu.yield
    }) : () -> ()
    "tpu.region"() ({
      %run_scoped3A = tpu.sem_alloc : memref<!tpu.dma_semaphore, #tpu.memory_space<semaphore_mem>>
      %dma_start3A = arith.constant 0 : i32
      %dma_start3A_18 = arith.constant 0 : i32
      %dma_start3A_19 = tpu.memref_slice %arg4[%arg1, %dma_start3A, %dma_start3A_18] : memref<16x80x125xi32, #tpu.memory_space<hbm>> -> memref<1x80x125xi32, #tpu.memory_space<hbm>>
      %dma_start3A_20 = tpu.memref_squeeze %dma_start3A_19 : memref<1x80x125xi32, #tpu.memory_space<hbm>> -> memref<80x125xi32, #tpu.memory_space<hbm>>
      %dma_start3A_21 = arith.constant 0 : i32
      %dma_start3A_22 = arith.constant 0 : i32
      %dma_start3A_23 = tpu.memref_slice %arg4[%arg1, %dma_start3A_21, %dma_start3A_22] : memref<16x80x125xi32, #tpu.memory_space<hbm>> -> memref<1x80x125xi32, #tpu.memory_space<hbm>>
      %dma_start3A_24 = tpu.memref_squeeze %dma_start3A_23 : memref<1x80x125xi32, #tpu.memory_space<hbm>> -> memref<80x125xi32, #tpu.memory_space<hbm>>
      tpu.enqueue_dma source(%dma_start3A_24 : memref<80x125xi32, #tpu.memory_space<hbm>>) target(%arg8 : memref<80x125xi32, #tpu.memory_space<vmem>>) target_semaphore(%run_scoped3A : memref<!tpu.dma_semaphore, #tpu.memory_space<semaphore_mem>>)
      %dma_wait3A = arith.constant 0 : i32
      %dma_wait3A_25 = arith.constant 0 : i32
      %dma_wait3A_26 = tpu.memref_slice %arg4[%arg1, %dma_wait3A, %dma_wait3A_25] : memref<16x80x125xi32, #tpu.memory_space<hbm>> -> memref<1x80x125xi32, #tpu.memory_space<hbm>>
      %dma_wait3A_27 = tpu.memref_squeeze %dma_wait3A_26 : memref<1x80x125xi32, #tpu.memory_space<hbm>> -> memref<80x125xi32, #tpu.memory_space<hbm>>
      %dma_wait3A_28 = arith.constant 0 : i32
      %dma_wait3A_29 = arith.constant 0 : i32
      %dma_wait3A_30 = tpu.memref_slice %arg4[%arg1, %dma_wait3A_28, %dma_wait3A_29] : memref<16x80x125xi32, #tpu.memory_space<hbm>> -> memref<1x80x125xi32, #tpu.memory_space<hbm>>
      %dma_wait3A_31 = tpu.memref_squeeze %dma_wait3A_30 : memref<1x80x125xi32, #tpu.memory_space<hbm>> -> memref<80x125xi32, #tpu.memory_space<hbm>>
      tpu.wait_dma2 semaphore(%run_scoped3A : memref<!tpu.dma_semaphore, #tpu.memory_space<semaphore_mem>>) src(%dma_wait3A_31 : memref<80x125xi32, #tpu.memory_space<hbm>>) dst(%arg8 : memref<80x125xi32, #tpu.memory_space<vmem>>)
      tpu.yield
    }) : () -> ()
    %barrier3A = arith.constant 0 : index
    tpu.barrier barrier_id(%barrier3A)
    %scan3A = arith.constant 0 : i32
    %scan3A_5 = arith.constant 0 : i32
    %scan3A_6 = arith.constant 80 : i32
    %scan3A_7 = arith.addi %scan3A_5, %scan3A_6 : i32
    %scan3A_8 = arith.constant 1 : i32
    scf.for %scan3A_18 = %scan3A_5 to %scan3A_7 step %scan3A_8  : i32 {
      %dma_start3A = arith.constant 0 : i32
      %dma_start3A_19 = tpu.memref_slice %arg7[%scan3A_18, %dma_start3A] : memref<80x125xi32, #tpu.memory_space<vmem>> -> memref<1x125xi32, #tpu.memory_space<vmem>>
      %dma_start3A_20 = tpu.memref_squeeze %dma_start3A_19 : memref<1x125xi32, #tpu.memory_space<vmem>> -> memref<125xi32, #tpu.memory_space<vmem>>
      %dma_start3A_21 = arith.constant 0 : i32
      %dma_start3A_22 = arith.constant 0 : i32
      %dma_start3A_23 = tpu.memref_slice %arg2[%dma_start3A_21, %dma_start3A_22] : memref<20000x128xf32, #tpu.memory_space<hbm>> -> memref<20000x128xf32, #tpu.memory_space<hbm>>
      tpu.enqueue_indirect_dma source(%dma_start3A_23 : memref<20000x128xf32, #tpu.memory_space<hbm>>) target(%arg9 : memref<125x128xf32, #tpu.memory_space<vmem>>) offsets(%dma_start3A_20 : memref<125xi32, #tpu.memory_space<vmem>>) semaphore(%arg11 : memref<!tpu.dma_semaphore, #tpu.memory_space<semaphore_mem>>)
      %dma_wait3A = arith.constant 0 : i32
      %dma_wait3A_24 = tpu.memref_slice %arg7[%scan3A_18, %dma_wait3A] : memref<80x125xi32, #tpu.memory_space<vmem>> -> memref<1x125xi32, #tpu.memory_space<vmem>>
      %dma_wait3A_25 = tpu.memref_squeeze %dma_wait3A_24 : memref<1x125xi32, #tpu.memory_space<vmem>> -> memref<125xi32, #tpu.memory_space<vmem>>
      %dma_wait3A_26 = arith.constant 0 : i32
      %dma_wait3A_27 = arith.constant 0 : i32
      %dma_wait3A_28 = tpu.memref_slice %arg2[%dma_wait3A_26, %dma_wait3A_27] : memref<20000x128xf32, #tpu.memory_space<hbm>> -> memref<20000x128xf32, #tpu.memory_space<hbm>>
      tpu.wait_indirect_dma semaphore(%arg11 : memref<!tpu.dma_semaphore, #tpu.memory_space<semaphore_mem>>) src(%dma_wait3A_28 : memref<20000x128xf32, #tpu.memory_space<hbm>>) dst(%arg9 : memref<125x128xf32, #tpu.memory_space<vmem>>)
      "tpu.region"() ({
        %run_scoped3A = tpu.sem_alloc : memref<!tpu.dma_semaphore, #tpu.memory_space<semaphore_mem>>
        %dma_start3A_29 = arith.constant 0 : i32
        %dma_start3A_30 = tpu.memref_slice %arg8[%scan3A_18, %dma_start3A_29] : memref<80x125xi32, #tpu.memory_space<vmem>> -> memref<1x125xi32, #tpu.memory_space<vmem>>
        %dma_start3A_31 = tpu.memref_squeeze %dma_start3A_30 : memref<1x125xi32, #tpu.memory_space<vmem>> -> memref<125xi32, #tpu.memory_space<vmem>>
        %dma_start3A_32 = arith.constant 0 : i32
        %dma_start3A_33 = arith.constant 0 : i32
        %dma_start3A_34 = tpu.memref_slice %arg10[%dma_start3A_32, %dma_start3A_33] : memref<10112x128xf32, #tpu.memory_space<vmem_shared>> -> memref<10112x128xf32, #tpu.memory_space<vmem_shared>>
        tpu.enqueue_indirect_dma source(%arg9 : memref<125x128xf32, #tpu.memory_space<vmem>>) target(%dma_start3A_34 : memref<10112x128xf32, #tpu.memory_space<vmem_shared>>) offsets(%dma_start3A_31 : memref<125xi32, #tpu.memory_space<vmem>>) semaphore(%run_scoped3A : memref<!tpu.dma_semaphore, #tpu.memory_space<semaphore_mem>>) {add = true}
        %dma_wait3A_35 = arith.constant 0 : i32
        %dma_wait3A_36 = tpu.memref_slice %arg8[%scan3A_18, %dma_wait3A_35] : memref<80x125xi32, #tpu.memory_space<vmem>> -> memref<1x125xi32, #tpu.memory_space<vmem>>
        %dma_wait3A_37 = tpu.memref_squeeze %dma_wait3A_36 : memref<1x125xi32, #tpu.memory_space<vmem>> -> memref<125xi32, #tpu.memory_space<vmem>>
        %dma_wait3A_38 = arith.constant 0 : i32
        %dma_wait3A_39 = arith.constant 0 : i32
        %dma_wait3A_40 = tpu.memref_slice %arg10[%dma_wait3A_38, %dma_wait3A_39] : memref<10112x128xf32, #tpu.memory_space<vmem_shared>> -> memref<10112x128xf32, #tpu.memory_space<vmem_shared>>
        tpu.wait_indirect_dma semaphore(%run_scoped3A : memref<!tpu.dma_semaphore, #tpu.memory_space<semaphore_mem>>) src(%arg9 : memref<125x128xf32, #tpu.memory_space<vmem>>) dst(%dma_wait3A_40 : memref<10112x128xf32, #tpu.memory_space<vmem_shared>>)
        tpu.yield
      }) : () -> ()
    }
    %scan3A_9 = arith.constant 80 : i32
    %barrier3A_10 = arith.constant 0 : index
    tpu.barrier barrier_id(%barrier3A_10)
    %mul3A_11 = arith.constant 632 : i32
    %mul3A_12 = arith.muli %arg1, %mul3A_11 : i32
    %mul3A_13 = arith.constant 10112 : i32
    %mul3A_14 = arith.muli %arg0, %mul3A_13 : i32
    %mul3A_15 = arith.constant 632 : i32
    %mul3A_16 = arith.muli %arg1, %mul3A_15 : i32
    %add3A_17 = arith.addi %mul3A_14, %mul3A_16 : i32
    "tpu.region"() ({
      %run_scoped3A = tpu.sem_alloc : memref<!tpu.dma_semaphore, #tpu.memory_space<semaphore_mem>>
      %dma_start3A = arith.constant 0 : i32
      %dma_start3A_18 = tpu.memref_slice %arg6[%add3A_17, %dma_start3A] : memref<20224x128xf32, #tpu.memory_space<hbm>> -> memref<632x128xf32, #tpu.memory_space<hbm>>
      %dma_start3A_19 = arith.constant 0 : i32
      %dma_start3A_20 = tpu.memref_slice %arg10[%mul3A_12, %dma_start3A_19] : memref<10112x128xf32, #tpu.memory_space<vmem_shared>> -> memref<632x128xf32, #tpu.memory_space<vmem_shared>>
      tpu.enqueue_dma source(%dma_start3A_20 : memref<632x128xf32, #tpu.memory_space<vmem_shared>>) target(%dma_start3A_18 : memref<632x128xf32, #tpu.memory_space<hbm>>) target_semaphore(%run_scoped3A : memref<!tpu.dma_semaphore, #tpu.memory_space<semaphore_mem>>)
      %dma_wait3A = arith.constant 0 : i32
      %dma_wait3A_21 = tpu.memref_slice %arg6[%add3A_17, %dma_wait3A] : memref<20224x128xf32, #tpu.memory_space<hbm>> -> memref<632x128xf32, #tpu.memory_space<hbm>>
      %dma_wait3A_22 = arith.constant 0 : i32
      %dma_wait3A_23 = tpu.memref_slice %arg10[%mul3A_12, %dma_wait3A_22] : memref<10112x128xf32, #tpu.memory_space<vmem_shared>> -> memref<632x128xf32, #tpu.memory_space<vmem_shared>>
      tpu.wait_dma2 semaphore(%run_scoped3A : memref<!tpu.dma_semaphore, #tpu.memory_space<semaphore_mem>>) src(%dma_wait3A_23 : memref<632x128xf32, #tpu.memory_space<vmem_shared>>) dst(%dma_wait3A_21 : memref<632x128xf32, #tpu.memory_space<hbm>>)
      tpu.yield
    }) : () -> ()
    return
  }
}

#map = affine_map<(d0, d1) -> (0, 0)>
#map1 = affine_map<(d0, d1) -> (0, 0, 0)>
module attributes {stable_mosaic.version = 14 : i64} {
  func.func @_sc_agg(%arg0: i32, %arg1: i32, %arg2: memref<20000x128xf32, #tpu.memory_space<hbm>>, %arg3: memref<32x80x125xi32, #tpu.memory_space<hbm>>, %arg4: memref<16x80x125xi32, #tpu.memory_space<hbm>>, %arg5: memref<10112x128xf32, #tpu.memory_space<hbm>>, %arg6: memref<20224x128xf32, #tpu.memory_space<hbm>>, %arg7: memref<80x125xi32, #tpu.memory_space<vmem>>, %arg8: memref<80x125xi32, #tpu.memory_space<vmem>>, %arg9: memref<125x128xf32, #tpu.memory_space<vmem>>, %arg10: memref<10112x128xf32, #tpu.memory_space<vmem_shared>>, %arg11: memref<!tpu.dma_semaphore, #tpu.memory_space<semaphore_mem>>) attributes {dimension_semantics = [#tpu.dimension_semantics<core_parallel>, #tpu.dimension_semantics<subcore_parallel>], iteration_bounds = array<i64: 2, 16>, scalar_prefetch = 0 : i64, scratch_operands = 5 : i64, tpu.core_type = #tpu.core_type<sc_vector_subcore>, window_params = [{transform_indices = #map}, {transform_indices = #map1}, {transform_indices = #map1}, {transform_indices = #map}, {transform_indices = #map}]} {
    %mul3A = arith.constant 632 : i32
    %mul3A_0 = arith.muli %arg1, %mul3A : i32
    %mul3A_1 = arith.constant 632 : i32
    %mul3A_2 = arith.muli %arg1, %mul3A_1 : i32
    "tpu.region"() ({
      %run_scoped3A = tpu.sem_alloc : memref<!tpu.dma_semaphore, #tpu.memory_space<semaphore_mem>>
      %dma_start3A = arith.constant 0 : i32
      %dma_start3A_18 = tpu.memref_slice %arg10[%mul3A_2, %dma_start3A] : memref<10112x128xf32, #tpu.memory_space<vmem_shared>> -> memref<632x128xf32, #tpu.memory_space<vmem_shared>>
      %dma_start3A_19 = arith.constant 0 : i32
      %dma_start3A_20 = tpu.memref_slice %arg5[%mul3A_0, %dma_start3A_19] : memref<10112x128xf32, #tpu.memory_space<hbm>> -> memref<632x128xf32, #tpu.memory_space<hbm>>
      tpu.enqueue_dma source(%dma_start3A_20 : memref<632x128xf32, #tpu.memory_space<hbm>>) target(%dma_start3A_18 : memref<632x128xf32, #tpu.memory_space<vmem_shared>>) target_semaphore(%run_scoped3A : memref<!tpu.dma_semaphore, #tpu.memory_space<semaphore_mem>>)
      %dma_wait3A = arith.constant 0 : i32
      %dma_wait3A_21 = tpu.memref_slice %arg10[%mul3A_2, %dma_wait3A] : memref<10112x128xf32, #tpu.memory_space<vmem_shared>> -> memref<632x128xf32, #tpu.memory_space<vmem_shared>>
      %dma_wait3A_22 = arith.constant 0 : i32
      %dma_wait3A_23 = tpu.memref_slice %arg5[%mul3A_0, %dma_wait3A_22] : memref<10112x128xf32, #tpu.memory_space<hbm>> -> memref<632x128xf32, #tpu.memory_space<hbm>>
      tpu.wait_dma2 semaphore(%run_scoped3A : memref<!tpu.dma_semaphore, #tpu.memory_space<semaphore_mem>>) src(%dma_wait3A_23 : memref<632x128xf32, #tpu.memory_space<hbm>>) dst(%dma_wait3A_21 : memref<632x128xf32, #tpu.memory_space<vmem_shared>>)
      tpu.yield
    }) : () -> ()
    %mul3A_3 = arith.constant 16 : i32
    %mul3A_4 = arith.muli %arg0, %mul3A_3 : i32
    %add3A = arith.addi %mul3A_4, %arg1 : i32
    "tpu.region"() ({
      %run_scoped3A = tpu.sem_alloc : memref<!tpu.dma_semaphore, #tpu.memory_space<semaphore_mem>>
      %dma_start3A = arith.constant 0 : i32
      %dma_start3A_18 = arith.constant 0 : i32
      %dma_start3A_19 = tpu.memref_slice %arg3[%add3A, %dma_start3A, %dma_start3A_18] : memref<32x80x125xi32, #tpu.memory_space<hbm>> -> memref<1x80x125xi32, #tpu.memory_space<hbm>>
      %dma_start3A_20 = tpu.memref_squeeze %dma_start3A_19 : memref<1x80x125xi32, #tpu.memory_space<hbm>> -> memref<80x125xi32, #tpu.memory_space<hbm>>
      %dma_start3A_21 = arith.constant 0 : i32
      %dma_start3A_22 = arith.constant 0 : i32
      %dma_start3A_23 = tpu.memref_slice %arg3[%add3A, %dma_start3A_21, %dma_start3A_22] : memref<32x80x125xi32, #tpu.memory_space<hbm>> -> memref<1x80x125xi32, #tpu.memory_space<hbm>>
      %dma_start3A_24 = tpu.memref_squeeze %dma_start3A_23 : memref<1x80x125xi32, #tpu.memory_space<hbm>> -> memref<80x125xi32, #tpu.memory_space<hbm>>
      tpu.enqueue_dma source(%dma_start3A_24 : memref<80x125xi32, #tpu.memory_space<hbm>>) target(%arg7 : memref<80x125xi32, #tpu.memory_space<vmem>>) target_semaphore(%run_scoped3A : memref<!tpu.dma_semaphore, #tpu.memory_space<semaphore_mem>>)
      %dma_wait3A = arith.constant 0 : i32
      %dma_wait3A_25 = arith.constant 0 : i32
      %dma_wait3A_26 = tpu.memref_slice %arg3[%add3A, %dma_wait3A, %dma_wait3A_25] : memref<32x80x125xi32, #tpu.memory_space<hbm>> -> memref<1x80x125xi32, #tpu.memory_space<hbm>>
      %dma_wait3A_27 = tpu.memref_squeeze %dma_wait3A_26 : memref<1x80x125xi32, #tpu.memory_space<hbm>> -> memref<80x125xi32, #tpu.memory_space<hbm>>
      %dma_wait3A_28 = arith.constant 0 : i32
      %dma_wait3A_29 = arith.constant 0 : i32
      %dma_wait3A_30 = tpu.memref_slice %arg3[%add3A, %dma_wait3A_28, %dma_wait3A_29] : memref<32x80x125xi32, #tpu.memory_space<hbm>> -> memref<1x80x125xi32, #tpu.memory_space<hbm>>
      %dma_wait3A_31 = tpu.memref_squeeze %dma_wait3A_30 : memref<1x80x125xi32, #tpu.memory_space<hbm>> -> memref<80x125xi32, #tpu.memory_space<hbm>>
      tpu.wait_dma2 semaphore(%run_scoped3A : memref<!tpu.dma_semaphore, #tpu.memory_space<semaphore_mem>>) src(%dma_wait3A_31 : memref<80x125xi32, #tpu.memory_space<hbm>>) dst(%arg7 : memref<80x125xi32, #tpu.memory_space<vmem>>)
      tpu.yield
    }) : () -> ()
    "tpu.region"() ({
      %run_scoped3A = tpu.sem_alloc : memref<!tpu.dma_semaphore, #tpu.memory_space<semaphore_mem>>
      %dma_start3A = arith.constant 0 : i32
      %dma_start3A_18 = arith.constant 0 : i32
      %dma_start3A_19 = tpu.memref_slice %arg4[%arg1, %dma_start3A, %dma_start3A_18] : memref<16x80x125xi32, #tpu.memory_space<hbm>> -> memref<1x80x125xi32, #tpu.memory_space<hbm>>
      %dma_start3A_20 = tpu.memref_squeeze %dma_start3A_19 : memref<1x80x125xi32, #tpu.memory_space<hbm>> -> memref<80x125xi32, #tpu.memory_space<hbm>>
      %dma_start3A_21 = arith.constant 0 : i32
      %dma_start3A_22 = arith.constant 0 : i32
      %dma_start3A_23 = tpu.memref_slice %arg4[%arg1, %dma_start3A_21, %dma_start3A_22] : memref<16x80x125xi32, #tpu.memory_space<hbm>> -> memref<1x80x125xi32, #tpu.memory_space<hbm>>
      %dma_start3A_24 = tpu.memref_squeeze %dma_start3A_23 : memref<1x80x125xi32, #tpu.memory_space<hbm>> -> memref<80x125xi32, #tpu.memory_space<hbm>>
      tpu.enqueue_dma source(%dma_start3A_24 : memref<80x125xi32, #tpu.memory_space<hbm>>) target(%arg8 : memref<80x125xi32, #tpu.memory_space<vmem>>) target_semaphore(%run_scoped3A : memref<!tpu.dma_semaphore, #tpu.memory_space<semaphore_mem>>)
      %dma_wait3A = arith.constant 0 : i32
      %dma_wait3A_25 = arith.constant 0 : i32
      %dma_wait3A_26 = tpu.memref_slice %arg4[%arg1, %dma_wait3A, %dma_wait3A_25] : memref<16x80x125xi32, #tpu.memory_space<hbm>> -> memref<1x80x125xi32, #tpu.memory_space<hbm>>
      %dma_wait3A_27 = tpu.memref_squeeze %dma_wait3A_26 : memref<1x80x125xi32, #tpu.memory_space<hbm>> -> memref<80x125xi32, #tpu.memory_space<hbm>>
      %dma_wait3A_28 = arith.constant 0 : i32
      %dma_wait3A_29 = arith.constant 0 : i32
      %dma_wait3A_30 = tpu.memref_slice %arg4[%arg1, %dma_wait3A_28, %dma_wait3A_29] : memref<16x80x125xi32, #tpu.memory_space<hbm>> -> memref<1x80x125xi32, #tpu.memory_space<hbm>>
      %dma_wait3A_31 = tpu.memref_squeeze %dma_wait3A_30 : memref<1x80x125xi32, #tpu.memory_space<hbm>> -> memref<80x125xi32, #tpu.memory_space<hbm>>
      tpu.wait_dma2 semaphore(%run_scoped3A : memref<!tpu.dma_semaphore, #tpu.memory_space<semaphore_mem>>) src(%dma_wait3A_31 : memref<80x125xi32, #tpu.memory_space<hbm>>) dst(%arg8 : memref<80x125xi32, #tpu.memory_space<vmem>>)
      tpu.yield
    }) : () -> ()
    %barrier3A = arith.constant 0 : index
    tpu.barrier barrier_id(%barrier3A)
    %scan3A = arith.constant 0 : i32
    %scan3A_5 = arith.constant 0 : i32
    %scan3A_6 = arith.constant 80 : i32
    %scan3A_7 = arith.addi %scan3A_5, %scan3A_6 : i32
    %scan3A_8 = arith.constant 1 : i32
    scf.for %scan3A_18 = %scan3A_5 to %scan3A_7 step %scan3A_8  : i32 {
      %dma_start3A = arith.constant 0 : i32
      %dma_start3A_19 = tpu.memref_slice %arg7[%scan3A_18, %dma_start3A] : memref<80x125xi32, #tpu.memory_space<vmem>> -> memref<1x125xi32, #tpu.memory_space<vmem>>
      %dma_start3A_20 = tpu.memref_squeeze %dma_start3A_19 : memref<1x125xi32, #tpu.memory_space<vmem>> -> memref<125xi32, #tpu.memory_space<vmem>>
      %dma_start3A_21 = arith.constant 0 : i32
      %dma_start3A_22 = arith.constant 0 : i32
      %dma_start3A_23 = tpu.memref_slice %arg2[%dma_start3A_21, %dma_start3A_22] : memref<20000x128xf32, #tpu.memory_space<hbm>> -> memref<20000x128xf32, #tpu.memory_space<hbm>>
      tpu.enqueue_indirect_dma source(%dma_start3A_23 : memref<20000x128xf32, #tpu.memory_space<hbm>>) target(%arg9 : memref<125x128xf32, #tpu.memory_space<vmem>>) offsets(%dma_start3A_20 : memref<125xi32, #tpu.memory_space<vmem>>) semaphore(%arg11 : memref<!tpu.dma_semaphore, #tpu.memory_space<semaphore_mem>>)
      %dma_wait3A = arith.constant 0 : i32
      %dma_wait3A_24 = tpu.memref_slice %arg7[%scan3A_18, %dma_wait3A] : memref<80x125xi32, #tpu.memory_space<vmem>> -> memref<1x125xi32, #tpu.memory_space<vmem>>
      %dma_wait3A_25 = tpu.memref_squeeze %dma_wait3A_24 : memref<1x125xi32, #tpu.memory_space<vmem>> -> memref<125xi32, #tpu.memory_space<vmem>>
      %dma_wait3A_26 = arith.constant 0 : i32
      %dma_wait3A_27 = arith.constant 0 : i32
      %dma_wait3A_28 = tpu.memref_slice %arg2[%dma_wait3A_26, %dma_wait3A_27] : memref<20000x128xf32, #tpu.memory_space<hbm>> -> memref<20000x128xf32, #tpu.memory_space<hbm>>
      tpu.wait_indirect_dma semaphore(%arg11 : memref<!tpu.dma_semaphore, #tpu.memory_space<semaphore_mem>>) src(%dma_wait3A_28 : memref<20000x128xf32, #tpu.memory_space<hbm>>) dst(%arg9 : memref<125x128xf32, #tpu.memory_space<vmem>>)
      "tpu.region"() ({
        %run_scoped3A = tpu.sem_alloc : memref<!tpu.dma_semaphore, #tpu.memory_space<semaphore_mem>>
        %dma_start3A_29 = arith.constant 0 : i32
        %dma_start3A_30 = tpu.memref_slice %arg8[%scan3A_18, %dma_start3A_29] : memref<80x125xi32, #tpu.memory_space<vmem>> -> memref<1x125xi32, #tpu.memory_space<vmem>>
        %dma_start3A_31 = tpu.memref_squeeze %dma_start3A_30 : memref<1x125xi32, #tpu.memory_space<vmem>> -> memref<125xi32, #tpu.memory_space<vmem>>
        %dma_start3A_32 = arith.constant 0 : i32
        %dma_start3A_33 = arith.constant 0 : i32
        %dma_start3A_34 = tpu.memref_slice %arg10[%dma_start3A_32, %dma_start3A_33] : memref<10112x128xf32, #tpu.memory_space<vmem_shared>> -> memref<10112x128xf32, #tpu.memory_space<vmem_shared>>
        tpu.enqueue_indirect_dma source(%arg9 : memref<125x128xf32, #tpu.memory_space<vmem>>) target(%dma_start3A_34 : memref<10112x128xf32, #tpu.memory_space<vmem_shared>>) offsets(%dma_start3A_31 : memref<125xi32, #tpu.memory_space<vmem>>) semaphore(%run_scoped3A : memref<!tpu.dma_semaphore, #tpu.memory_space<semaphore_mem>>) {add = true}
        %dma_wait3A_35 = arith.constant 0 : i32
        %dma_wait3A_36 = tpu.memref_slice %arg8[%scan3A_18, %dma_wait3A_35] : memref<80x125xi32, #tpu.memory_space<vmem>> -> memref<1x125xi32, #tpu.memory_space<vmem>>
        %dma_wait3A_37 = tpu.memref_squeeze %dma_wait3A_36 : memref<1x125xi32, #tpu.memory_space<vmem>> -> memref<125xi32, #tpu.memory_space<vmem>>
        %dma_wait3A_38 = arith.constant 0 : i32
        %dma_wait3A_39 = arith.constant 0 : i32
        %dma_wait3A_40 = tpu.memref_slice %arg10[%dma_wait3A_38, %dma_wait3A_39] : memref<10112x128xf32, #tpu.memory_space<vmem_shared>> -> memref<10112x128xf32, #tpu.memory_space<vmem_shared>>
        tpu.wait_indirect_dma semaphore(%run_scoped3A : memref<!tpu.dma_semaphore, #tpu.memory_space<semaphore_mem>>) src(%arg9 : memref<125x128xf32, #tpu.memory_space<vmem>>) dst(%dma_wait3A_40 : memref<10112x128xf32, #tpu.memory_space<vmem_shared>>)
        tpu.yield
      }) : () -> ()
    }
    %scan3A_9 = arith.constant 80 : i32
    %barrier3A_10 = arith.constant 0 : index
    tpu.barrier barrier_id(%barrier3A_10)
    %mul3A_11 = arith.constant 632 : i32
    %mul3A_12 = arith.muli %arg1, %mul3A_11 : i32
    %mul3A_13 = arith.constant 10112 : i32
    %mul3A_14 = arith.muli %arg0, %mul3A_13 : i32
    %mul3A_15 = arith.constant 632 : i32
    %mul3A_16 = arith.muli %arg1, %mul3A_15 : i32
    %add3A_17 = arith.addi %mul3A_14, %mul3A_16 : i32
    "tpu.region"() ({
      %run_scoped3A = tpu.sem_alloc : memref<!tpu.dma_semaphore, #tpu.memory_space<semaphore_mem>>
      %dma_start3A = arith.constant 0 : i32
      %dma_start3A_18 = tpu.memref_slice %arg6[%add3A_17, %dma_start3A] : memref<20224x128xf32, #tpu.memory_space<hbm>> -> memref<632x128xf32, #tpu.memory_space<hbm>>
      %dma_start3A_19 = arith.constant 0 : i32
      %dma_start3A_20 = tpu.memref_slice %arg10[%mul3A_12, %dma_start3A_19] : memref<10112x128xf32, #tpu.memory_space<vmem_shared>> -> memref<632x128xf32, #tpu.memory_space<vmem_shared>>
      tpu.enqueue_dma source(%dma_start3A_20 : memref<632x128xf32, #tpu.memory_space<vmem_shared>>) target(%dma_start3A_18 : memref<632x128xf32, #tpu.memory_space<hbm>>) target_semaphore(%run_scoped3A : memref<!tpu.dma_semaphore, #tpu.memory_space<semaphore_mem>>)
      %dma_wait3A = arith.constant 0 : i32
      %dma_wait3A_21 = tpu.memref_slice %arg6[%add3A_17, %dma_wait3A] : memref<20224x128xf32, #tpu.memory_space<hbm>> -> memref<632x128xf32, #tpu.memory_space<hbm>>
      %dma_wait3A_22 = arith.constant 0 : i32
      %dma_wait3A_23 = tpu.memref_slice %arg10[%mul3A_12, %dma_wait3A_22] : memref<10112x128xf32, #tpu.memory_space<vmem_shared>> -> memref<632x128xf32, #tpu.memory_space<vmem_shared>>
      tpu.wait_dma2 semaphore(%run_scoped3A : memref<!tpu.dma_semaphore, #tpu.memory_space<semaphore_mem>>) src(%dma_wait3A_23 : memref<632x128xf32, #tpu.memory_space<vmem_shared>>) dst(%dma_wait3A_21 : memref<632x128xf32, #tpu.memory_space<hbm>>)
      tpu.yield
    }) : () -> ()
    return
  }
}

module attributes {stable_mosaic.version = 14 : i64} {
  func.func @_mm_gh_body(%arg0: i32, %arg1: memref<1000x256xf32, #tpu.memory_space<vmem>>, %arg2: memref<256x256xf32, #tpu.memory_space<vmem>>, %arg3: memref<256x768xf32, #tpu.memory_space<vmem>>, %arg4: memref<1x768xf32, #tpu.memory_space<vmem>>, %arg5: memref<2x1000x128xf32, #tpu.memory_space<vmem>>, %arg6: memref<1000x768xf32, #tpu.memory_space<vmem>>) attributes {dimension_semantics = [#tpu.dimension_semantics<arbitrary>], iteration_bounds = array<i64: 10>, scalar_prefetch = 0 : i64, scratch_operands = 0 : i64, tpu.core_type = #tpu.core_type<tc>, window_params = [{transform_indices = @transform_0, window_bounds = array<i64: 1000, 256>}, {pipeline_mode = #tpu.pipeline_mode<synchronous>, transform_indices = @transform_1, window_bounds = array<i64: 256, 256>}, {pipeline_mode = #tpu.pipeline_mode<synchronous>, transform_indices = @transform_2, window_bounds = array<i64: 256, 768>}, {pipeline_mode = #tpu.pipeline_mode<synchronous>, transform_indices = @transform_3, window_bounds = array<i64: 1, 768>}, {transform_indices = @transform_4, window_bounds = array<i64: 2, 1000, 128>}, {transform_indices = @transform_5, window_bounds = array<i64: 1000, 768>}]} {
    %get3A = arith.constant 0 : index
    %get3A_0 = arith.constant 0 : index
    %get3A_1 = vector.load %arg1[%get3A, %get3A_0] : memref<1000x256xf32, #tpu.memory_space<vmem>>, vector<1000x256xf32>
    %convert_element_type3A = arith.truncf %get3A_1 : vector<1000x256xf32> to vector<1000x256xbf16>
    %get3A_2 = arith.constant 0 : index
    %get3A_3 = arith.constant 0 : index
    %get3A_4 = vector.load %arg2[%get3A_2, %get3A_3] : memref<256x256xf32, #tpu.memory_space<vmem>>, vector<256x256xf32>
    %convert_element_type3A_5 = arith.truncf %get3A_4 : vector<256x256xf32> to vector<256x256xbf16>
    %dot_general3A = arith.constant dense<0.000000e+00> : vector<1000x256xf32>
    %dot_general3A_6 = tpu.matmul %convert_element_type3A, %convert_element_type3A_5, %dot_general3A {dimension_numbers = #tpu.dot_dimension_numbers<[1], [0], [0], [1], [0, 0, 1, 1], [], []>, transpose_lhs_hint = false} : vector<1000x256xbf16>, vector<256x256xbf16>, vector<1000x256xf32> -> vector<1000x256xf32>
    %slice3A = vector.extract_strided_slice %dot_general3A_6 {offsets = [0, 0], sizes = [1000, 128], strides = [1, 1]} : vector<1000x256xf32> to vector<1000x128xf32>
    %swap3A = arith.constant 0 : index
    %swap3A_7 = arith.constant 0 : index
    %swap3A_8 = arith.constant 0 : index
    %swap3A_9 = vector.load %arg5[%swap3A, %swap3A_7, %swap3A_8] : memref<2x1000x128xf32, #tpu.memory_space<vmem>>, vector<1x1000x128xf32>
    %swap3A_10 = vector.shape_cast %swap3A_9 : vector<1x1000x128xf32> to vector<1000x128xf32>
    %swap3A_11 = vector.shape_cast %slice3A : vector<1000x128xf32> to vector<1x1000x128xf32>
    tpu.vector_store %arg5[%swap3A, %swap3A_7, %swap3A_8], %swap3A_11 {strides = array<i32>} : memref<2x1000x128xf32, #tpu.memory_space<vmem>>, vector<1x1000x128xf32>,
    %slice3A_12 = vector.extract_strided_slice %dot_general3A_6 {offsets = [0, 128], sizes = [1000, 128], strides = [1, 1]} : vector<1000x256xf32> to vector<1000x128xf32>
    %swap3A_13 = arith.constant 1 : index
    %swap3A_14 = arith.constant 0 : index
    %swap3A_15 = arith.constant 0 : index
    %swap3A_16 = vector.load %arg5[%swap3A_13, %swap3A_14, %swap3A_15] : memref<2x1000x128xf32, #tpu.memory_space<vmem>>, vector<1x1000x128xf32>
    %swap3A_17 = vector.shape_cast %swap3A_16 : vector<1x1000x128xf32> to vector<1000x128xf32>
    %swap3A_18 = vector.shape_cast %slice3A_12 : vector<1000x128xf32> to vector<1x1000x128xf32>
    tpu.vector_store %arg5[%swap3A_13, %swap3A_14, %swap3A_15], %swap3A_18 {strides = array<i32>} : memref<2x1000x128xf32, #tpu.memory_space<vmem>>, vector<1x1000x128xf32>,
    %get3A_19 = arith.constant 0 : index
    %get3A_20 = arith.constant 0 : index
    %get3A_21 = vector.load %arg3[%get3A_19, %get3A_20] : memref<256x768xf32, #tpu.memory_space<vmem>>, vector<256x768xf32>
    %convert_element_type3A_22 = arith.truncf %get3A_21 : vector<256x768xf32> to vector<256x768xbf16>
    %dot_general3A_23 = arith.constant dense<0.000000e+00> : vector<1000x768xf32>
    %dot_general3A_24 = tpu.matmul %convert_element_type3A, %convert_element_type3A_22, %dot_general3A_23 {dimension_numbers = #tpu.dot_dimension_numbers<[1], [0], [0], [1], [0, 0, 1, 1], [], []>, transpose_lhs_hint = false} : vector<1000x256xbf16>, vector<256x768xbf16>, vector<1000x768xf32> -> vector<1000x768xf32>
    %get3A_25 = arith.constant 0 : index
    %get3A_26 = arith.constant 0 : index
    %get3A_27 = vector.load %arg4[%get3A_25, %get3A_26] : memref<1x768xf32, #tpu.memory_space<vmem>>, vector<1x768xf32>
    %add3A = vector.broadcast %get3A_27 : vector<1x768xf32> to vector<1000x768xf32>
    %add3A_28 = arith.addf %dot_general3A_24, %add3A : vector<1000x768xf32>
    %swap3A_29 = arith.constant 0 : index
    %swap3A_30 = arith.constant 0 : index
    %swap3A_31 = vector.load %arg6[%swap3A_29, %swap3A_30] : memref<1000x768xf32, #tpu.memory_space<vmem>>, vector<1000x768xf32>
    tpu.vector_store %arg6[%swap3A_29, %swap3A_30], %add3A_28 {strides = array<i32>} : memref<1000x768xf32, #tpu.memory_space<vmem>>, vector<1000x768xf32>,
    return
  }
  func.func @transform_0(%arg0: i32) -> (i32, i32) {
    %c0_i32 = arith.constant 0 : i32
    %c0_i32_0 = arith.constant 0 : i32
    return %arg0, %c0_i32 : i32, i32
  }
  func.func @transform_1(%arg0: i32) -> (i32, i32) {
    %c0_i32 = arith.constant 0 : i32
    %c0_i32_0 = arith.constant 0 : i32
    %c0_i32_1 = arith.constant 0 : i32
    return %c0_i32, %c0_i32_0 : i32, i32
  }
  func.func @transform_2(%arg0: i32) -> (i32, i32) {
    %c0_i32 = arith.constant 0 : i32
    %c0_i32_0 = arith.constant 0 : i32
    %c0_i32_1 = arith.constant 0 : i32
    return %c0_i32, %c0_i32_0 : i32, i32
  }
  func.func @transform_3(%arg0: i32) -> (i32, i32) {
    %c0_i32 = arith.constant 0 : i32
    %c0_i32_0 = arith.constant 0 : i32
    %c0_i32_1 = arith.constant 0 : i32
    return %c0_i32, %c0_i32_0 : i32, i32
  }
  func.func @transform_4(%arg0: i32) -> (i32, i32, i32) {
    %c0_i32 = arith.constant 0 : i32
    %c0_i32_0 = arith.constant 0 : i32
    %c0_i32_1 = arith.constant 0 : i32
    return %c0_i32, %arg0, %c0_i32_0 : i32, i32, i32
  }
  func.func @transform_5(%arg0: i32) -> (i32, i32) {
    %c0_i32 = arith.constant 0 : i32
    %c0_i32_0 = arith.constant 0 : i32
    return %arg0, %c0_i32 : i32, i32
  }
}

module attributes {stable_mosaic.version = 14 : i64} {
  func.func @_fused_body(%arg0: i32, %arg1: memref<2x1000x128xf32, #tpu.memory_space<vmem>>, %arg2: memref<1000x256xf32, #tpu.memory_space<vmem>>, %arg3: memref<1000x768xf32, #tpu.memory_space<vmem>>, %arg4: memref<256x768xf32, #tpu.memory_space<vmem>>, %arg5: memref<1x768xf32, #tpu.memory_space<vmem>>, %arg6: memref<256x256xf32, #tpu.memory_space<vmem>>, %arg7: memref<256x768xf32, #tpu.memory_space<vmem>>, %arg8: memref<1x768xf32, #tpu.memory_space<vmem>>, %arg9: memref<1000x256xf32, #tpu.memory_space<vmem>>, %arg10: memref<2x1000x128xf32, #tpu.memory_space<vmem>>, %arg11: memref<1000x768xf32, #tpu.memory_space<vmem>>) attributes {dimension_semantics = [#tpu.dimension_semantics<arbitrary>], iteration_bounds = array<i64: 10>, scalar_prefetch = 0 : i64, scratch_operands = 0 : i64, tpu.core_type = #tpu.core_type<tc>, window_params = [{transform_indices = @transform_0, window_bounds = array<i64: 2, 1000, 128>}, {transform_indices = @transform_1, window_bounds = array<i64: 1000, 256>}, {transform_indices = @transform_2, window_bounds = array<i64: 1000, 768>}, {pipeline_mode = #tpu.pipeline_mode<synchronous>, transform_indices = @transform_3, window_bounds = array<i64: 256, 768>}, {pipeline_mode = #tpu.pipeline_mode<synchronous>, transform_indices = @transform_4, window_bounds = array<i64: 1, 768>}, {pipeline_mode = #tpu.pipeline_mode<synchronous>, transform_indices = @transform_5, window_bounds = array<i64: 256, 256>}, {pipeline_mode = #tpu.pipeline_mode<synchronous>, transform_indices = @transform_6, window_bounds = array<i64: 256, 768>}, {pipeline_mode = #tpu.pipeline_mode<synchronous>, transform_indices = @transform_7, window_bounds = array<i64: 1, 768>}, {transform_indices = @transform_8, window_bounds = array<i64: 1000, 256>}, {transform_indices = @transform_9, window_bounds = array<i64: 2, 1000, 128>}, {transform_indices = @transform_10, window_bounds = array<i64: 1000, 768>}]} {
    %get3A = arith.constant 0 : index
    %get3A_0 = arith.constant 0 : index
    %get3A_1 = arith.constant 0 : index
    %get3A_2 = vector.load %arg1[%get3A, %get3A_0, %get3A_1] : memref<2x1000x128xf32, #tpu.memory_space<vmem>>, vector<1x1000x128xf32>
    %get3A_3 = vector.shape_cast %get3A_2 : vector<1x1000x128xf32> to vector<1000x128xf32>
    %get3A_4 = arith.constant 1 : index
    %get3A_5 = arith.constant 0 : index
    %get3A_6 = arith.constant 0 : index
    %get3A_7 = vector.load %arg1[%get3A_4, %get3A_5, %get3A_6] : memref<2x1000x128xf32, #tpu.memory_space<vmem>>, vector<1x1000x128xf32>
    %get3A_8 = vector.shape_cast %get3A_7 : vector<1x1000x128xf32> to vector<1000x128xf32>
    %concatenate3A = tpu.concatenate %get3A_3, %get3A_8 in 1 : vector<1000x128xf32>, vector<1000x128xf32> -> vector<1000x256xf32>
    %convert_element_type3A = arith.truncf %concatenate3A : vector<1000x256xf32> to vector<1000x256xbf16>
    %get3A_9 = arith.constant 0 : index
    %get3A_10 = arith.constant 0 : index
    %get3A_11 = vector.load %arg4[%get3A_9, %get3A_10] : memref<256x768xf32, #tpu.memory_space<vmem>>, vector<256x768xf32>
    %convert_element_type3A_12 = arith.truncf %get3A_11 : vector<256x768xf32> to vector<256x768xbf16>
    %dot_general3A = arith.constant dense<0.000000e+00> : vector<1000x768xf32>
    %dot_general3A_13 = tpu.matmul %convert_element_type3A, %convert_element_type3A_12, %dot_general3A {dimension_numbers = #tpu.dot_dimension_numbers<[1], [0], [0], [1], [0, 0, 1, 1], [], []>, transpose_lhs_hint = false} : vector<1000x256xbf16>, vector<256x768xbf16>, vector<1000x768xf32> -> vector<1000x768xf32>
    %get3A_14 = arith.constant 0 : index
    %get3A_15 = arith.constant 0 : index
    %get3A_16 = vector.load %arg5[%get3A_14, %get3A_15] : memref<1x768xf32, #tpu.memory_space<vmem>>, vector<1x768xf32>
    %add3A = vector.broadcast %get3A_16 : vector<1x768xf32> to vector<1000x768xf32>
    %add3A_17 = arith.addf %dot_general3A_13, %add3A : vector<1000x768xf32>
    %get3A_18 = arith.constant 0 : index
    %get3A_19 = arith.constant 0 : index
    %get3A_20 = vector.load %arg3[%get3A_18, %get3A_19] : memref<1000x768xf32, #tpu.memory_space<vmem>>, vector<1000x768xf32>
    %get3A_21 = arith.constant 0 : index
    %get3A_22 = arith.constant 0 : index
    %get3A_23 = vector.load %arg2[%get3A_21, %get3A_22] : memref<1000x256xf32, #tpu.memory_space<vmem>>, vector<1000x256xf32>
    %slice3A = vector.extract_strided_slice %add3A_17 {offsets = [0, 0], sizes = [1000, 256], strides = [1, 1]} : vector<1000x768xf32> to vector<1000x256xf32>
    %slice3A_24 = vector.extract_strided_slice %get3A_20 {offsets = [0, 0], sizes = [1000, 256], strides = [1, 1]} : vector<1000x768xf32> to vector<1000x256xf32>
    %add3A_25 = arith.addf %slice3A, %slice3A_24 : vector<1000x256xf32>
    %logistic3A = arith.negf %add3A_25 : vector<1000x256xf32>
    %logistic3A_26 = math.exp %logistic3A : vector<1000x256xf32>
    %logistic3A_27 = arith.constant 1.000000e+00 : f32
    %logistic3A_28 = vector.broadcast %logistic3A_27 : f32 to vector<1000x256xf32>
    %logistic3A_29 = arith.addf %logistic3A_28, %logistic3A_26 : vector<1000x256xf32>
    %logistic3A_30 = arith.divf %logistic3A_28, %logistic3A_29 : vector<1000x256xf32>
    %slice3A_31 = vector.extract_strided_slice %add3A_17 {offsets = [0, 256], sizes = [1000, 256], strides = [1, 1]} : vector<1000x768xf32> to vector<1000x256xf32>
    %slice3A_32 = vector.extract_strided_slice %get3A_20 {offsets = [0, 256], sizes = [1000, 256], strides = [1, 1]} : vector<1000x768xf32> to vector<1000x256xf32>
    %add3A_33 = arith.addf %slice3A_31, %slice3A_32 : vector<1000x256xf32>
    %logistic3A_34 = arith.negf %add3A_33 : vector<1000x256xf32>
    %logistic3A_35 = math.exp %logistic3A_34 : vector<1000x256xf32>
    %logistic3A_36 = arith.constant 1.000000e+00 : f32
    %logistic3A_37 = vector.broadcast %logistic3A_36 : f32 to vector<1000x256xf32>
    %logistic3A_38 = arith.addf %logistic3A_37, %logistic3A_35 : vector<1000x256xf32>
    %logistic3A_39 = arith.divf %logistic3A_37, %logistic3A_38 : vector<1000x256xf32>
    %slice3A_40 = vector.extract_strided_slice %add3A_17 {offsets = [0, 512], sizes = [1000, 256], strides = [1, 1]} : vector<1000x768xf32> to vector<1000x256xf32>
    %slice3A_41 = vector.extract_strided_slice %get3A_20 {offsets = [0, 512], sizes = [1000, 256], strides = [1, 1]} : vector<1000x768xf32> to vector<1000x256xf32>
    %mul3A = arith.mulf %logistic3A_30, %slice3A_41 : vector<1000x256xf32>
    %add3A_42 = arith.addf %slice3A_40, %mul3A : vector<1000x256xf32>
    %tanh3A = math.tanh %add3A_42 : vector<1000x256xf32>
    %sub3A = arith.constant 1.000000e+00 : f32
    %sub3A_43 = vector.broadcast %sub3A : f32 to vector<1000x256xf32>
    %sub3A_44 = arith.subf %sub3A_43, %logistic3A_39 : vector<1000x256xf32>
    %mul3A_45 = arith.mulf %sub3A_44, %tanh3A : vector<1000x256xf32>
    %mul3A_46 = arith.mulf %logistic3A_39, %get3A_23 : vector<1000x256xf32>
    %add3A_47 = arith.addf %mul3A_45, %mul3A_46 : vector<1000x256xf32>
    %swap3A = arith.constant 0 : index
    %swap3A_48 = arith.constant 0 : index
    %swap3A_49 = vector.load %arg9[%swap3A, %swap3A_48] : memref<1000x256xf32, #tpu.memory_space<vmem>>, vector<1000x256xf32>
    tpu.vector_store %arg9[%swap3A, %swap3A_48], %add3A_47 {strides = array<i32>} : memref<1000x256xf32, #tpu.memory_space<vmem>>, vector<1000x256xf32>,
    %convert_element_type3A_50 = arith.truncf %add3A_47 : vector<1000x256xf32> to vector<1000x256xbf16>
    %get3A_51 = arith.constant 0 : index
    %get3A_52 = arith.constant 0 : index
    %get3A_53 = vector.load %arg6[%get3A_51, %get3A_52] : memref<256x256xf32, #tpu.memory_space<vmem>>, vector<256x256xf32>
    %convert_element_type3A_54 = arith.truncf %get3A_53 : vector<256x256xf32> to vector<256x256xbf16>
    %dot_general3A_55 = arith.constant dense<0.000000e+00> : vector<1000x256xf32>
    %dot_general3A_56 = tpu.matmul %convert_element_type3A_50, %convert_element_type3A_54, %dot_general3A_55 {dimension_numbers = #tpu.dot_dimension_numbers<[1], [0], [0], [1], [0, 0, 1, 1], [], []>, transpose_lhs_hint = false} : vector<1000x256xbf16>, vector<256x256xbf16>, vector<1000x256xf32> -> vector<1000x256xf32>
    %slice3A_57 = vector.extract_strided_slice %dot_general3A_56 {offsets = [0, 0], sizes = [1000, 128], strides = [1, 1]} : vector<1000x256xf32> to vector<1000x128xf32>
    %swap3A_58 = arith.constant 0 : index
    %swap3A_59 = arith.constant 0 : index
    %swap3A_60 = arith.constant 0 : index
    %swap3A_61 = vector.load %arg10[%swap3A_58, %swap3A_59, %swap3A_60] : memref<2x1000x128xf32, #tpu.memory_space<vmem>>, vector<1x1000x128xf32>
    %swap3A_62 = vector.shape_cast %swap3A_61 : vector<1x1000x128xf32> to vector<1000x128xf32>
    %swap3A_63 = vector.shape_cast %slice3A_57 : vector<1000x128xf32> to vector<1x1000x128xf32>
    tpu.vector_store %arg10[%swap3A_58, %swap3A_59, %swap3A_60], %swap3A_63 {strides = array<i32>} : memref<2x1000x128xf32, #tpu.memory_space<vmem>>, vector<1x1000x128xf32>,
    %slice3A_64 = vector.extract_strided_slice %dot_general3A_56 {offsets = [0, 128], sizes = [1000, 128], strides = [1, 1]} : vector<1000x256xf32> to vector<1000x128xf32>
    %swap3A_65 = arith.constant 1 : index
    %swap3A_66 = arith.constant 0 : index
    %swap3A_67 = arith.constant 0 : index
    %swap3A_68 = vector.load %arg10[%swap3A_65, %swap3A_66, %swap3A_67] : memref<2x1000x128xf32, #tpu.memory_space<vmem>>, vector<1x1000x128xf32>
    %swap3A_69 = vector.shape_cast %swap3A_68 : vector<1x1000x128xf32> to vector<1000x128xf32>
    %swap3A_70 = vector.shape_cast %slice3A_64 : vector<1000x128xf32> to vector<1x1000x128xf32>
    tpu.vector_store %arg10[%swap3A_65, %swap3A_66, %swap3A_67], %swap3A_70 {strides = array<i32>} : memref<2x1000x128xf32, #tpu.memory_space<vmem>>, vector<1x1000x128xf32>,
    %get3A_71 = arith.constant 0 : index
    %get3A_72 = arith.constant 0 : index
    %get3A_73 = vector.load %arg7[%get3A_71, %get3A_72] : memref<256x768xf32, #tpu.memory_space<vmem>>, vector<256x768xf32>
    %convert_element_type3A_74 = arith.truncf %get3A_73 : vector<256x768xf32> to vector<256x768xbf16>
    %dot_general3A_75 = arith.constant dense<0.000000e+00> : vector<1000x768xf32>
    %dot_general3A_76 = tpu.matmul %convert_element_type3A_50, %convert_element_type3A_74, %dot_general3A_75 {dimension_numbers = #tpu.dot_dimension_numbers<[1], [0], [0], [1], [0, 0, 1, 1], [], []>, transpose_lhs_hint = false} : vector<1000x256xbf16>, vector<256x768xbf16>, vector<1000x768xf32> -> vector<1000x768xf32>
    %get3A_77 = arith.constant 0 : index
    %get3A_78 = arith.constant 0 : index
    %get3A_79 = vector.load %arg8[%get3A_77, %get3A_78] : memref<1x768xf32, #tpu.memory_space<vmem>>, vector<1x768xf32>
    %add3A_80 = vector.broadcast %get3A_79 : vector<1x768xf32> to vector<1000x768xf32>
    %add3A_81 = arith.addf %dot_general3A_76, %add3A_80 : vector<1000x768xf32>
    %swap3A_82 = arith.constant 0 : index
    %swap3A_83 = arith.constant 0 : index
    %swap3A_84 = vector.load %arg11[%swap3A_82, %swap3A_83] : memref<1000x768xf32, #tpu.memory_space<vmem>>, vector<1000x768xf32>
    tpu.vector_store %arg11[%swap3A_82, %swap3A_83], %add3A_81 {strides = array<i32>} : memref<1000x768xf32, #tpu.memory_space<vmem>>, vector<1000x768xf32>,
    return
  }
  func.func @transform_0(%arg0: i32) -> (i32, i32, i32) {
    %c0_i32 = arith.constant 0 : i32
    %c0_i32_0 = arith.constant 0 : i32
    %c0_i32_1 = arith.constant 0 : i32
    return %c0_i32, %arg0, %c0_i32_0 : i32, i32, i32
  }
  func.func @transform_1(%arg0: i32) -> (i32, i32) {
    %c0_i32 = arith.constant 0 : i32
    %c0_i32_0 = arith.constant 0 : i32
    return %arg0, %c0_i32 : i32, i32
  }
  func.func @transform_2(%arg0: i32) -> (i32, i32) {
    %c0_i32 = arith.constant 0 : i32
    %c0_i32_0 = arith.constant 0 : i32
    return %arg0, %c0_i32 : i32, i32
  }
  func.func @transform_3(%arg0: i32) -> (i32, i32) {
    %c0_i32 = arith.constant 0 : i32
    %c0_i32_0 = arith.constant 0 : i32
    %c0_i32_1 = arith.constant 0 : i32
    return %c0_i32, %c0_i32_0 : i32, i32
  }
  func.func @transform_4(%arg0: i32) -> (i32, i32) {
    %c0_i32 = arith.constant 0 : i32
    %c0_i32_0 = arith.constant 0 : i32
    %c0_i32_1 = arith.constant 0 : i32
    return %c0_i32, %c0_i32_0 : i32, i32
  }
  func.func @transform_5(%arg0: i32) -> (i32, i32) {
    %c0_i32 = arith.constant 0 : i32
    %c0_i32_0 = arith.constant 0 : i32
    %c0_i32_1 = arith.constant 0 : i32
    return %c0_i32, %c0_i32_0 : i32, i32
  }
  func.func @transform_6(%arg0: i32) -> (i32, i32) {
    %c0_i32 = arith.constant 0 : i32
    %c0_i32_0 = arith.constant 0 : i32
    %c0_i32_1 = arith.constant 0 : i32
    return %c0_i32, %c0_i32_0 : i32, i32
  }
  func.func @transform_7(%arg0: i32) -> (i32, i32) {
    %c0_i32 = arith.constant 0 : i32
    %c0_i32_0 = arith.constant 0 : i32
    %c0_i32_1 = arith.constant 0 : i32
    return %c0_i32, %c0_i32_0 : i32, i32
  }
  func.func @transform_8(%arg0: i32) -> (i32, i32) {
    %c0_i32 = arith.constant 0 : i32
    %c0_i32_0 = arith.constant 0 : i32
    return %arg0, %c0_i32 : i32, i32
  }
  func.func @transform_9(%arg0: i32) -> (i32, i32, i32) {
    %c0_i32 = arith.constant 0 : i32
    %c0_i32_0 = arith.constant 0 : i32
    %c0_i32_1 = arith.constant 0 : i32
    return %c0_i32, %arg0, %c0_i32_0 : i32, i32, i32
  }
  func.func @transform_10(%arg0: i32) -> (i32, i32) {
    %c0_i32 = arith.constant 0 : i32
    %c0_i32_0 = arith.constant 0 : i32
    return %arg0, %c0_i32 : i32, i32
  }
}

module attributes {stable_mosaic.version = 14 : i64} {
  func.func @_gru_fc_body(%arg0: i32, %arg1: memref<2x1000x128xf32, #tpu.memory_space<vmem>>, %arg2: memref<1000x256xf32, #tpu.memory_space<vmem>>, %arg3: memref<1000x768xf32, #tpu.memory_space<vmem>>, %arg4: memref<256x768xf32, #tpu.memory_space<vmem>>, %arg5: memref<1x768xf32, #tpu.memory_space<vmem>>, %arg6: memref<256x1xf32, #tpu.memory_space<vmem>>, %arg7: memref<1x1xf32, #tpu.memory_space<vmem>>, %arg8: memref<1000x1xf32, #tpu.memory_space<vmem>>) attributes {dimension_semantics = [#tpu.dimension_semantics<arbitrary>], iteration_bounds = array<i64: 10>, scalar_prefetch = 0 : i64, scratch_operands = 0 : i64, tpu.core_type = #tpu.core_type<tc>, window_params = [{transform_indices = @transform_0, window_bounds = array<i64: 2, 1000, 128>}, {transform_indices = @transform_1, window_bounds = array<i64: 1000, 256>}, {transform_indices = @transform_2, window_bounds = array<i64: 1000, 768>}, {pipeline_mode = #tpu.pipeline_mode<synchronous>, transform_indices = @transform_3, window_bounds = array<i64: 256, 768>}, {pipeline_mode = #tpu.pipeline_mode<synchronous>, transform_indices = @transform_4, window_bounds = array<i64: 1, 768>}, {pipeline_mode = #tpu.pipeline_mode<synchronous>, transform_indices = @transform_5, window_bounds = array<i64: 256, 1>}, {pipeline_mode = #tpu.pipeline_mode<synchronous>, transform_indices = @transform_6, window_bounds = array<i64: 1, 1>}, {transform_indices = @transform_7, window_bounds = array<i64: 1000, 1>}]} {
    %get3A = arith.constant 0 : index
    %get3A_0 = arith.constant 0 : index
    %get3A_1 = arith.constant 0 : index
    %get3A_2 = vector.load %arg1[%get3A, %get3A_0, %get3A_1] : memref<2x1000x128xf32, #tpu.memory_space<vmem>>, vector<1x1000x128xf32>
    %get3A_3 = vector.shape_cast %get3A_2 : vector<1x1000x128xf32> to vector<1000x128xf32>
    %get3A_4 = arith.constant 1 : index
    %get3A_5 = arith.constant 0 : index
    %get3A_6 = arith.constant 0 : index
    %get3A_7 = vector.load %arg1[%get3A_4, %get3A_5, %get3A_6] : memref<2x1000x128xf32, #tpu.memory_space<vmem>>, vector<1x1000x128xf32>
    %get3A_8 = vector.shape_cast %get3A_7 : vector<1x1000x128xf32> to vector<1000x128xf32>
    %concatenate3A = tpu.concatenate %get3A_3, %get3A_8 in 1 : vector<1000x128xf32>, vector<1000x128xf32> -> vector<1000x256xf32>
    %convert_element_type3A = arith.truncf %concatenate3A : vector<1000x256xf32> to vector<1000x256xbf16>
    %get3A_9 = arith.constant 0 : index
    %get3A_10 = arith.constant 0 : index
    %get3A_11 = vector.load %arg4[%get3A_9, %get3A_10] : memref<256x768xf32, #tpu.memory_space<vmem>>, vector<256x768xf32>
    %convert_element_type3A_12 = arith.truncf %get3A_11 : vector<256x768xf32> to vector<256x768xbf16>
    %dot_general3A = arith.constant dense<0.000000e+00> : vector<1000x768xf32>
    %dot_general3A_13 = tpu.matmul %convert_element_type3A, %convert_element_type3A_12, %dot_general3A {dimension_numbers = #tpu.dot_dimension_numbers<[1], [0], [0], [1], [0, 0, 1, 1], [], []>, transpose_lhs_hint = false} : vector<1000x256xbf16>, vector<256x768xbf16>, vector<1000x768xf32> -> vector<1000x768xf32>
    %get3A_14 = arith.constant 0 : index
    %get3A_15 = arith.constant 0 : index
    %get3A_16 = vector.load %arg5[%get3A_14, %get3A_15] : memref<1x768xf32, #tpu.memory_space<vmem>>, vector<1x768xf32>
    %add3A = vector.broadcast %get3A_16 : vector<1x768xf32> to vector<1000x768xf32>
    %add3A_17 = arith.addf %dot_general3A_13, %add3A : vector<1000x768xf32>
    %get3A_18 = arith.constant 0 : index
    %get3A_19 = arith.constant 0 : index
    %get3A_20 = vector.load %arg3[%get3A_18, %get3A_19] : memref<1000x768xf32, #tpu.memory_space<vmem>>, vector<1000x768xf32>
    %get3A_21 = arith.constant 0 : index
    %get3A_22 = arith.constant 0 : index
    %get3A_23 = vector.load %arg2[%get3A_21, %get3A_22] : memref<1000x256xf32, #tpu.memory_space<vmem>>, vector<1000x256xf32>
    %slice3A = vector.extract_strided_slice %add3A_17 {offsets = [0, 0], sizes = [1000, 256], strides = [1, 1]} : vector<1000x768xf32> to vector<1000x256xf32>
    %slice3A_24 = vector.extract_strided_slice %get3A_20 {offsets = [0, 0], sizes = [1000, 256], strides = [1, 1]} : vector<1000x768xf32> to vector<1000x256xf32>
    %add3A_25 = arith.addf %slice3A, %slice3A_24 : vector<1000x256xf32>
    %logistic3A = arith.negf %add3A_25 : vector<1000x256xf32>
    %logistic3A_26 = math.exp %logistic3A : vector<1000x256xf32>
    %logistic3A_27 = arith.constant 1.000000e+00 : f32
    %logistic3A_28 = vector.broadcast %logistic3A_27 : f32 to vector<1000x256xf32>
    %logistic3A_29 = arith.addf %logistic3A_28, %logistic3A_26 : vector<1000x256xf32>
    %logistic3A_30 = arith.divf %logistic3A_28, %logistic3A_29 : vector<1000x256xf32>
    %slice3A_31 = vector.extract_strided_slice %add3A_17 {offsets = [0, 256], sizes = [1000, 256], strides = [1, 1]} : vector<1000x768xf32> to vector<1000x256xf32>
    %slice3A_32 = vector.extract_strided_slice %get3A_20 {offsets = [0, 256], sizes = [1000, 256], strides = [1, 1]} : vector<1000x768xf32> to vector<1000x256xf32>
    %add3A_33 = arith.addf %slice3A_31, %slice3A_32 : vector<1000x256xf32>
    %logistic3A_34 = arith.negf %add3A_33 : vector<1000x256xf32>
    %logistic3A_35 = math.exp %logistic3A_34 : vector<1000x256xf32>
    %logistic3A_36 = arith.constant 1.000000e+00 : f32
    %logistic3A_37 = vector.broadcast %logistic3A_36 : f32 to vector<1000x256xf32>
    %logistic3A_38 = arith.addf %logistic3A_37, %logistic3A_35 : vector<1000x256xf32>
    %logistic3A_39 = arith.divf %logistic3A_37, %logistic3A_38 : vector<1000x256xf32>
    %slice3A_40 = vector.extract_strided_slice %add3A_17 {offsets = [0, 512], sizes = [1000, 256], strides = [1, 1]} : vector<1000x768xf32> to vector<1000x256xf32>
    %slice3A_41 = vector.extract_strided_slice %get3A_20 {offsets = [0, 512], sizes = [1000, 256], strides = [1, 1]} : vector<1000x768xf32> to vector<1000x256xf32>
    %mul3A = arith.mulf %logistic3A_30, %slice3A_41 : vector<1000x256xf32>
    %add3A_42 = arith.addf %slice3A_40, %mul3A : vector<1000x256xf32>
    %tanh3A = math.tanh %add3A_42 : vector<1000x256xf32>
    %sub3A = arith.constant 1.000000e+00 : f32
    %sub3A_43 = vector.broadcast %sub3A : f32 to vector<1000x256xf32>
    %sub3A_44 = arith.subf %sub3A_43, %logistic3A_39 : vector<1000x256xf32>
    %mul3A_45 = arith.mulf %sub3A_44, %tanh3A : vector<1000x256xf32>
    %mul3A_46 = arith.mulf %logistic3A_39, %get3A_23 : vector<1000x256xf32>
    %add3A_47 = arith.addf %mul3A_45, %mul3A_46 : vector<1000x256xf32>
    %convert_element_type3A_48 = arith.truncf %add3A_47 : vector<1000x256xf32> to vector<1000x256xbf16>
    %get3A_49 = arith.constant 0 : index
    %get3A_50 = arith.constant 0 : index
    %get3A_51 = vector.load %arg6[%get3A_49, %get3A_50] : memref<256x1xf32, #tpu.memory_space<vmem>>, vector<256x1xf32>
    %convert_element_type3A_52 = arith.truncf %get3A_51 : vector<256x1xf32> to vector<256x1xbf16>
    %dot_general3A_53 = arith.constant dense<0.000000e+00> : vector<1000x1xf32>
    %dot_general3A_54 = tpu.matmul %convert_element_type3A_48, %convert_element_type3A_52, %dot_general3A_53 {dimension_numbers = #tpu.dot_dimension_numbers<[1], [0], [0], [1], [0, 0, 1, 1], [], []>, transpose_lhs_hint = false} : vector<1000x256xbf16>, vector<256x1xbf16>, vector<1000x1xf32> -> vector<1000x1xf32>
    %get3A_55 = arith.constant 0 : index
    %get3A_56 = arith.constant 0 : index
    %get3A_57 = vector.load %arg7[%get3A_55, %get3A_56] : memref<1x1xf32, #tpu.memory_space<vmem>>, vector<1x1xf32>
    %add3A_58 = vector.broadcast %get3A_57 : vector<1x1xf32> to vector<1000x1xf32>
    %add3A_59 = arith.addf %dot_general3A_54, %add3A_58 : vector<1000x1xf32>
    %jit3A = arith.constant 0.00999999977 : f32
    %jit3A_60 = arith.constant 1.000000e+00 : f32
    %max3A = vector.broadcast %jit3A : f32 to vector<1000x1xf32>
    %max3A_61 = arith.maximumf %max3A, %add3A_59 : vector<1000x1xf32>
    %min3A = vector.broadcast %jit3A_60 : f32 to vector<1000x1xf32>
    %min3A_62 = arith.minimumf %min3A, %max3A_61 : vector<1000x1xf32>
    %swap3A = arith.constant 0 : index
    %swap3A_63 = arith.constant 0 : index
    %swap3A_64 = vector.load %arg8[%swap3A, %swap3A_63] : memref<1000x1xf32, #tpu.memory_space<vmem>>, vector<1000x1xf32>
    tpu.vector_store %arg8[%swap3A, %swap3A_63], %min3A_62 {strides = array<i32>} : memref<1000x1xf32, #tpu.memory_space<vmem>>, vector<1000x1xf32>,
    return
  }
  func.func @transform_0(%arg0: i32) -> (i32, i32, i32) {
    %c0_i32 = arith.constant 0 : i32
    %c0_i32_0 = arith.constant 0 : i32
    %c0_i32_1 = arith.constant 0 : i32
    return %c0_i32, %arg0, %c0_i32_0 : i32, i32, i32
  }
  func.func @transform_1(%arg0: i32) -> (i32, i32) {
    %c0_i32 = arith.constant 0 : i32
    %c0_i32_0 = arith.constant 0 : i32
    return %arg0, %c0_i32 : i32, i32
  }
  func.func @transform_2(%arg0: i32) -> (i32, i32) {
    %c0_i32 = arith.constant 0 : i32
    %c0_i32_0 = arith.constant 0 : i32
    return %arg0, %c0_i32 : i32, i32
  }
  func.func @transform_3(%arg0: i32) -> (i32, i32) {
    %c0_i32 = arith.constant 0 : i32
    %c0_i32_0 = arith.constant 0 : i32
    %c0_i32_1 = arith.constant 0 : i32
    return %c0_i32, %c0_i32_0 : i32, i32
  }
  func.func @transform_4(%arg0: i32) -> (i32, i32) {
    %c0_i32 = arith.constant 0 : i32
    %c0_i32_0 = arith.constant 0 : i32
    %c0_i32_1 = arith.constant 0 : i32
    return %c0_i32, %c0_i32_0 : i32, i32
  }
  func.func @transform_5(%arg0: i32) -> (i32, i32) {
    %c0_i32 = arith.constant 0 : i32
    %c0_i32_0 = arith.constant 0 : i32
    %c0_i32_1 = arith.constant 0 : i32
    return %c0_i32, %c0_i32_0 : i32, i32
  }
  func.func @transform_6(%arg0: i32) -> (i32, i32) {
    %c0_i32 = arith.constant 0 : i32
    %c0_i32_0 = arith.constant 0 : i32
    %c0_i32_1 = arith.constant 0 : i32
    return %c0_i32, %c0_i32_0 : i32, i32
  }
  func.func @transform_7(%arg0: i32) -> (i32, i32) {
    %c0_i32 = arith.constant 0 : i32
    %c0_i32_0 = arith.constant 0 : i32
    return %arg0, %c0_i32 : i32, i32
  }
}

</mosaic_0001>

<sc_bundles>
// kernel: kernel.13.cloned.1.call-start
scs
__scs_entry_jumppad:
0x0: {  	(pc) =	sbr.rel $0x88, $3  }
0x1: {  	(tag) =	ssettag $0x0;
	lr =	simm.s32 $0x1  }
0x2: {  	[smem:$0x3F98] =	sst lr;
	_ =	strace $0xD0000000  }
0x3: {  	_ = 	snop  }
0x4: {  	_ = 	snop  }
0x5: {  	_ = 	snop  }
0x6: {  	_ = 	snop  }
0x7: {  	_ = 	snop  }
__scs_overlays_trampoline_lowered:
0x8: {  	[smem:$0x3FA7] =	sst s0  }
0x9: {  	[smem:$0x3FA8] =	sst s1  }
0xa: {  	[smem:$0x3FA9] =	sst s2  }
0xb: {  	[smem:$0x3FAA] =	sst s3  }
0xc: {  	[smem:$0x3FAB] =	sst s4  }
0xd: {  	[smem:$0x3FAC] =	sst s5  }
0xe: {  	[smem:$0x3FAD] =	sst s6  }
0xf: {  	[smem:$0x3FAE] =	sst s7  }
0x10: {  	[smem:$0x3FAF] =	sst s8  }
0x11: {  	[smem:$0x3FB0] =	sst s9;
	s0 =	simm.s32 @!p0 $0x0  }
0x12: {  	s1 =	sld [smem:$0x3F96];
	s0 =	simm.s32 @p0 $0x1  }
0x13: {  	[smem:$0x3FB1] =	sst s0;
	s0 =	simm.s32 @!p1 $0x0  }
0x14: {  	s2 =	sld [smem:$0x3F95];
	s0 =	simm.s32 @p1 $0x1  }
0x15: {  	[smem:$0x3FB2] =	sst s0;
	s0 =	simm.s32 @!p2 $0x0  }
0x16: {  	s3 =	sld [smem:$0x3FDB];
	s0 =	simm.s32 @p2 $0x1  }
0x17: {  	s4 =	simm.s32 $0x1BF5;
	[smem:$0x3FB4] =	sst s0  }
0x18: {  	s0 =	sld [smem:$0x3F97];
	_ =	swait.ge [sflag:s4], $0x0  }
0x19: {  	s7 =	sld [smem:$0x3F98]  }
0x1a: {  	s8 =	sadd.s32 $0xFFFFE003, lr  }
0x1b: {  	s9 =	sadd.s32 $0xFFFFFEF7, lr;
	s5 =	simm.s32 $0xFFFFFFFF;
	p2 =	slt.u32 s8, $0xFFFFF086  }
0x1c: {  	p1 =	slt.u32 s9, $0xF7A;
	s5 =	simm.s32 @!p2 $0x0  }
0x1d: {  	s5 =	simm.s32 @p1 $0x1;
	p0 =	seq.s32 s7, s2  }
0x1e: {  	s7 =	smul.u32 @!p0 $0xF7A, s2;
	p2 =	seq.s32 @!p0 s5, $0x0  }
0x1f: {  	s9 =	smul.u32 $0xF7A, s1;
	s8 =	simm.s32 @!p0 $0x1BF5;
	p2 =	por !p2, p0  }
0x20: {  	[sflag:s8] =	ssyncset.s32 @!p0 $0xFFFFF086;
	s6 =	sadd.s32 @!p0 s3, s7;
	s7 =	simm.s32 @!p0 $0x108  }
0x21: {  	s3 =	sadd.s32 s3, s9;
	s6 =	sadd.s32 @!p0 $0x88, s6;
	s7 =	simm.s32 @p2 $0x1082  }
0x22: {  	[simem:s7], [sflag:s8] =	dma.local @!p0 [hbm:s6], $0xF7A  }
0x23: {  	s9 =	sor.u32 $0xD0000000, s2;
	s6 =	simm.s32 $0x108;
	_ =	swait.ge @!p0 [sflag:s8], $0x0  }
0x24: {  	s3 =	sadd.s32 $0x88, s3;
	s6 =	simm.s32 @!p1 $0x1082;
	[sflag:s4] =	ssyncset.s32 $0xFFFFF086  }
0x25: {  	[simem:s6], [sflag:s4] =	dma.local [hbm:s3], $0xF7A  }
0x26: {  	[smem:$0x3F98] =	sst s1;
	(tag) =	ssettag s2;
	_ =	strace s9  }
0x27: {  	s1 =	sld [smem:$0x3FA8]  }
0x28: {  	s2 =	sld [smem:$0x3FA9]  }
0x29: {  	s4 =	sld [smem:$0x3FAB]  }
0x2a: {  	p0 =	seq.s32 s5, $0x0;
	s5 =	sld [smem:$0x3FAC]  }
0x2b: {  	s6 =	sld [smem:$0x3FAD]  }
0x2c: {  	s7 =	sld [smem:$0x3FAE]  }
0x2d: {  	s3 =	simm.s32 $0x108;
	s8 =	sld [smem:$0x3FAF]  }
0x2e: {  	s3 =	simm.s32 @!p0 $0x1082;
	s9 =	sld [smem:$0x3FB0]  }
0x2f: {  	lr =	sadd.s32 s0, s3;
	s0 =	sld [smem:$0x3FA7]  }
0x30: {  	s3 =	sld [smem:$0x3FAA]  }
0x31: {  	[smem:$0x3FB3] =	sst s10  }
0x32: {  	s10 =	sld [smem:$0x3FB1];
	_ =	sdelay $0x3  }
0x33: {  	p0 =	seq.s32 s10, $0x1;
	s10 =	sld [smem:$0x3FB3];
	_ =	sdelay $0x3  }
0x34: {  	[smem:$0x3FB3] =	sst s10  }
0x35: {  	s10 =	sld [smem:$0x3FB2];
	_ =	sdelay $0x3  }
0x36: {  	p1 =	seq.s32 s10, $0x1;
	s10 =	sld [smem:$0x3FB3];
	_ =	sdelay $0x3  }
0x37: {  	[smem:$0x3FB3] =	sst s10  }
0x38: {  	s10 =	sld [smem:$0x3FB4]  }
0x39: {  	_ = 	snop;
	(pc) =	sbr.ind lr, $3  }
0x3a: {  	_ = 	snop  }
0x3b: {  	_ = 	snop  }
0x3c: {  	p2 =	seq.s32 s10, $0x1;
	s10 =	sld [smem:$0x3FB3]  }
0x3d: {  	_ =	shalt  }
0x3e: {  	_ =	shalt  }
0x3f: {  	_ =	shalt  }
0x40: {  	_ =	shalt  }
0x41: {  	_ =	shalt  }
0x42: {  	_ =	shalt  }
0x43: {  	_ =	shalt  }
0x44: {  	_ =	shalt  }
0x45: {  	_ =	shalt  }
0x46: {  	_ =	shalt  }
0x47: {  	_ =	shalt  }
0x48: {  	_ =	shalt  }
0x49: {  	_ =	shalt  }
0x4a: {  	_ =	shalt  }
0x4b: {  	_ =	shalt  }
0x4c: {  	_ =	shalt  }
0x4d: {  	_ =	shalt  }
0x4e: {  	_ =	shalt  }
0x4f: {  	_ =	shalt  }
0x50: {  	_ =	shalt  }
0x51: {  	_ =	shalt  }
0x52: {  	_ =	shalt  }
0x53: {  	_ =	shalt  }
0x54: {  	_ =	shalt  }
0x55: {  	_ =	shalt  }
0x56: {  	_ =	shalt  }
0x57: {  	_ =	shalt  }
0x58: {  	_ =	shalt  }
0x59: {  	_ =	shalt  }
0x5a: {  	_ =	shalt  }
0x5b: {  	_ =	shalt  }
0x5c: {  	_ =	shalt  }
0x5d: {  	_ =	shalt  }
0x5e: {  	_ =	shalt  }
0x5f: {  	_ =	shalt  }
0x60: {  	_ =	shalt  }
0x61: {  	_ =	shalt  }
0x62: {  	_ =	shalt  }
0x63: {  	_ =	shalt  }
0x64: {  	_ =	shalt  }
0x65: {  	_ =	shalt  }
0x66: {  	_ =	shalt  }
0x67: {  	_ =	shalt  }
0x68: {  	_ =	shalt  }
0x69: {  	_ =	shalt  }
0x6a: {  	_ =	shalt  }
0x6b: {  	_ =	shalt  }
0x6c: {  	_ =	shalt  }
0x6d: {  	_ =	shalt  }
0x6e: {  	_ =	shalt  }
0x6f: {  	_ =	shalt  }
0x70: {  	_ =	shalt  }
0x71: {  	_ =	shalt  }
0x72: {  	_ =	shalt  }
0x73: {  	_ =	shalt  }
0x74: {  	_ =	shalt  }
0x75: {  	_ =	shalt  }
0x76: {  	_ =	shalt  }
0x77: {  	_ =	shalt  }
0x78: {  	_ =	shalt  }
0x79: {  	_ =	shalt  }
0x7a: {  	_ =	shalt  }
0x7b: {  	_ =	shalt  }
0x7c: {  	_ =	shalt  }
0x7d: {  	_ =	shalt  }
0x7e: {  	_ =	shalt  }
0x7f: {  	_ =	shalt  }
0x80: {  	_ =	shalt  }
0x81: {  	_ =	shalt  }
0x82: {  	_ =	shalt  }
0x83: {  	_ =	shalt  }
0x84: {  	_ =	shalt  }
0x85: {  	_ =	shalt  }
0x86: {  	_ =	shalt  }
0x87: {  	_ =	shalt  }
.Lfunc_end0:
.L_simem_size_0:
called_computation_lowered:
.L_overlay_start_0:
0x88: {  	s2 =	sld [smem:$0x3FD9]  }
0x89: {  	s3 =	sld [smem:$0x3FFE];
	_ =	sdelay $0x1  }
0x8a: {  	s1 =	srdreg.scid  }
0x8b: {  	s0 =	sand.u32 $0x1, s1  }
0x8c: {  	s16 =	sshll.u32 s0, $0xA;
	s2 =	sadd.s32 s3, s2  }
0x8d: {  	s2 =	sadd.s32 s2, s16  }
0x8e: {  	[smem:$0x3FBF] =	sst s2  }
0x8f: {  	_ = 	snop  }
0x90: {  	(tm) =	ssettm $0x1  }
0x91: {  	s17 =	sld [smem:$0x3FFB];
	_ =	sdelay $0x3  }
0x92: {  	_ =	strace s17  }
0x93: {  	s2 =	sld [smem:$0x3FFC];
	_ =	sdelay $0x3  }
0x94: {  	_ =	strace s2  }
0x95: {  	s2 =	sld [smem:$0x3FFD];
	_ =	sdelay $0x3  }
0x96: {  	_ =	strace s2  }
0x97: {  	_ =	strace $0x8FFFFFFF  }
0x98: {  	s18 =	sld [smem:$0x3FDB];
	_ =	sdelay $0x1  }
0x99: {  	s19 =	simm.s32 $_scs_section_size  }
0x9a: {  	s4 =	simm.s32 $_size__tile_overlayer_lowered;
	s5 =	simm.s32 $_tile_overlayer_lowered  }
0x9b: {  	s22 =	simm.s32 $0x1BFF;
	s21 =	sshll.u32 s5, $0x1;
	s2 =	sadd.s32 s19, s18  }
0x9c: {  	s6 =	simm.s32 $0x0;
	s20 =	sshll.u32 s4, $0x1;
	s4 =	sadd.s32 s21, s2  }
0x9d: {  	[timem:s6], [sflag:s22] =	dma.local [hbm:s4], s20  }
0x9e: {  	_ =	swait.ge [sflag:s22], s20  }
0x9f: {  	s3 =	ssub.s32 $0x0, s20;
	[sflag:s22] =	ssyncset.done $0x0  }
0xa0: {  	[sflag:s22] =	ssyncadd.s32 s3;
	_ =	sdelay $0x1  }
0xa1: {  	s23 =	simm.s32 $0x1B8B  }
0xa2: {  	_ =	swait.ge [sflag:s23], $0x1  }
0xa3: {  	[sflag:s23] =	ssyncset.done $0x0  }
0xa4: {  	s25 =	simm.s32 $0x1B8E;
	s24 =	sld [smem:$0x3FFE];
	[sflag:s23] =	ssyncadd.s32 $0xFFFFFFFF  }
0xa5: {  	s26 =	simm.s32 $execute0_lowered;
	[smem:$0x3FD2] =	sst s25  }
0xa6: {  	s4 =	sshll.u32 s26, $0x1;
	_ =	strace $0x80000046;
	[dreg:$0x1] =	wrdreg $0xFFFFFFFF  }
0xa7: {  	s28 =	simm.s32 $_size_execute0_lowered;
	s2 =	sadd.s32 s2, s4;
	[dreg:$0x0] =	wrdreg $0x0  }
0xa8: {  	s4 =	sshll.u32 s28, $0x1;
	[dreg:$0x2] =	wrdreg s2  }
0xa9: {  	[dreg:$0x3] =	wrdreg s4  }
0xaa: {  	[dreg:$0x4] =	wrdreg $0xC0  }
0xab: {  	_ =	task [dreg:s6], $0x5FFFF  }
0xac: {  	[dreg:$0x1] =	wrdreg $0xFFFFFFFF  }
0xad: {  	[dreg:$0x0] =	wrdreg $0x60  }
0xae: {  	[dreg:$0x2] =	wrdreg s24  }
0xaf: {  	[dreg:$0x3] =	wrdreg $0x90000  }
0xb0: {  	[dreg:$0x4] =	wrdreg $0x9  }
0xb1: {  	_ =	task.clear_ibuf [dreg:s6], $0x5FFFF;
	_ =	strace $0x90000046  }
0xb2: {  	s29 =	simm.s32 $0x9;
	_ =	strace $0x80000048  }
0xb3: {  	_ =	swait.ge [sflag:s29], $0x1  }
0xb4: {  	[sflag:s29] =	ssyncadd.s32 $0xFFFFFFFF  }
0xb5: {  	_ =	strace $0x90000048  }
0xb6: {  	_ =	sfence  }
0xb7: {  	s30 =	sld [smem:$0x0];
	_ =	sdelay $0x2  }
0xb8: {  	s31 =	sshll.u32 s1, $0xD;
	s1 =	sshrl.u32 s1, $0x2  }
0xb9: {  	s3 =	sand.u32 $0x4000, s31;
	s1 =	sadd.s32 s1, s30  }
0xba: {  	s0 =	sor.u32 s3, s0;
	s1 =	sshll.u32 s1, $0x11  }
0xbb: {  	s0 =	sor.u32 s1, s0  }
0xbc: {  	s0 =	sadd.s32 $0x8F2B, s0  }
0xbd: {  	[sflag:s0] =	ssyncadd.remote.s32 $0x1  }
0xbe: {  	_ =	sfence.sel $0xFFFF  }
0xbf: {  	[dreg:$0x0] =	wrdreg $0xFFFFFFFF;
	(pc) =	sbr.abs _section_cstart, $3  }
0xc0: {  	[dreg:$0x1] =	wrdreg $0xFFFFFFFF  }
0xc1: {  	_ =	task.clear_ibuf [dreg:s6], $0x2FFFF;
	_ =	strace $0x9FFFFFFF  }
0xc2: {  	(tm) =	ssettm $0x7FFFFFFF  }
0xc3: {  	_ =	shalt  }
tec
execute0_lowered:
.L_overlay_start_1:
0x0: {  	(tag) =	ssettag $0x1  }
0x1: {  	s0 =	srdreg.scid;
	s6 =	rddreg [dreg:$0x0]  }
0x2: {  	s2 =	rddreg [dreg:$0x1];
	s3 =	simm.s32 $0x0;
	s13 =	simm.s32 $0x2800  }
0x3: {  	s14 =	simm.s32 $0x7D;
	s5 =	sand.u32 $0x1, s0;
	s0 =	stileid.u32  }
0x4: {  	s15 =	simm.s32 $0x5000;
	s16 =	simm.s32 $0x1;
	s8 =	smul.u32 $0x500, s0  }
0x5: {  	s17 =	simm.s32 $0x0;
	[smem:$0x7FF] =	sst s3;
	s9 =	smul.u32 $0x2780, s0  }
0x6: {  	s1 =	sshll.u32 s5, $0x4;
	s10 =	smul.u32 $0x27800, s5;
	s5 =	ssub.s32 $0x2, s5  }
0x7: {  	s11 =	smul.u32 $0x4F000, s0;
	s31 =	sshll.u32 s0, $0x6;
	s4 =	sor.u32 s0, s1  }
0x8: {  	s1 =	rddreg [dreg:$0x2];
	_ =	strace $0x80000047;
	s29 =	sshrl.u32 s5, $0x1  }
0x9: {  	s7 =	smul.u32 $0x500, s4;
	s4 =	sadd.s32 $0xFF200, s6;
	s8 =	sadd.s32 s8, s6  }
0xa: {  	s12 =	sadd.s32 s9, s6;
	s9 =	sadd.s32 s9, s10;
	s30 =	sshrl.u32 s11, $0x2  }
0xb: {  	s10 =	ssub.s32 s5, s29;
	s9 =	sadd.s32 s9, s6;
	s11 =	sadd.s32 s30, s2  }
0xc: {  	s5 =	sadd.s32 $0x14D400, s12;
	s8 =	sadd.s32 $0xFC00, s8;
	s10 =	smax.u32 s10, $0x1  }
0xd: {  	s12 =	simm.s32 $0x2;
	s7 =	sadd.s32 s7, s6;
	s6 =	sor.u32 $0x1C02, s31  }
0xe: {  	s9 =	sadd.s32 $0x174C00, s9;
	s11 =	sshrl.u32 s11, $0x3;
	s7 =	sadd.s32 $0x5C00, s7  }
.LBB2_1:
0xf: {  	[spmem:s11], [sflag:s6] =	dma.local [hbm:s5], $0x2780  }
0x10: {  	_ =	swait.ge [sflag:s12], $0x2780  }
0x11: {  	[sflag:s12] =	ssyncset.done $0x0  }
0x12: {  	[sflag:s12] =	ssyncadd.s32 $0xFFFFD880  }
0x13: {  	[tilespmem:s3], [sflag:$0x2] =	stream.linear.gather [hbm4b:s7+s3], $0x2800, $0x38;
	[tilespmem:$0x1CC00] =	vst v63  }
0x14: {  	_ =	swait.ge [sflag:s12], $0x2800  }
0x15: {  	[sflag:s12] =	ssyncset.done $0x0  }
0x16: {  	[sflag:s12] =	ssyncadd.s32 $0xFFFFD800  }
0x17: {  	[tilespmem:s13], [sflag:$0x2] =	stream.linear.gather [hbm4b:s8+s3], $0x2800, $0x38;
	[tilespmem:$0x1CC00] =	vst v63  }
0x18: {  	_ =	swait.ge [sflag:s12], $0x2800  }
0x19: {  	[sflag:s12] =	ssyncset.done $0x0  }
0x1a: {  	[sflag:s12] =	ssyncadd.s32 $0xFFFFD800  }
0x1b: {  	s18 =	simm.s32 $0x0;
	[bflag:$0x0] =	sbarrier.arrive $0xFFFF  }
0x1c: {  	[tilespmem:s15], [sflag:$0x1] =	stream.indirect.gather [hbm4b:s4+s14], $0x80, s18, s14, $0xb8;
	[tilespmem:$0x1CC00] =	vst v63  }
0x1d: {  	_ =	swait.ge [sflag:s16], $0x3E80  }
0x1e: {  	[sflag:s16] =	ssyncset.done $0x0  }
0x1f: {  	s31 =	simm.s32 $0x2800;
	[sflag:s16] =	ssyncadd.s32 $0xFFFFC180  }
0x20: {  	[spmem:s2] =	stream.indirect.scatter.add.f32 [tilespmem:s15], [sflag:$0x2], $0x80, s31, s14, $0xb8;
	[tilespmem:$0x1CC00] =	vst v63  }
0x21: {  	_ =	swait.ge [sflag:s12], $0x3E80  }
0x22: {  	s19 =	simm.s32 $0x400;
	s18 =	simm.s32 $0x200;
	[sflag:s12] =	ssyncset.done $0x0  }
.LBB2_2:
0x23: {  	s20 =	sshra.s32 s18, $0x2  }
0x24: {  	[sflag:s12] =	ssyncadd.s32 $0xFFFFC180;
	s18 =	smov.u32 s19;
	s21 =	sadd.s32 $0x200, s19  }
0x25: {  	[tilespmem:s15], [sflag:$0x1] =	stream.indirect.gather [hbm4b:s4+s14], $0x80, s20, s14, $0xb8;
	[tilespmem:$0x1CC00] =	vst v63  }
0x26: {  	p0 =	sne.s32 s19, $0x9E00;
	_ =	swait.ge [sflag:s16], $0x3E80  }
.Ltmp0:
0x27: {  	[sflag:s16] =	ssyncset.done $0x0;
	(pc) =	sbr.rel @p0 .LBB2_2-.Ltmp0, $4  }
0x28: {  	s19 =	sadd.s32 $0x2800, s20;
	[sflag:s16] =	ssyncadd.s32 $0xFFFFC180  }
0x29: {  	[spmem:s2] =	stream.indirect.scatter.add.f32 [tilespmem:s15], [sflag:$0x2], $0x80, s19, s14, $0xb8;
	[tilespmem:$0x1CC00] =	vst v63  }
0x2a: {  	_ =	swait.ge [sflag:s12], $0x3E80  }
0x2b: {  	s19 =	smov.u32 s21;
	[sflag:s12] =	ssyncset.done $0x0  }
0x2c: {  	s18 =	sshra.s32 s18, $0x2;
	[sflag:s12] =	ssyncadd.s32 $0xFFFFC180  }
0x2d: {  	[tilespmem:s15], [sflag:$0x1] =	stream.indirect.gather [hbm4b:s4+s14], $0x80, s18, s14, $0xb8;
	[tilespmem:$0x1CC00] =	vst v63  }
0x2e: {  	_ =	swait.ge [sflag:s16], $0x3E80  }
0x2f: {  	[sflag:s16] =	ssyncset.done $0x0  }
0x30: {  	s18 =	sadd.s32 $0x2800, s18;
	[sflag:s16] =	ssyncadd.s32 $0xFFFFC180  }
0x31: {  	[spmem:s2] =	stream.indirect.scatter.add.f32 [tilespmem:s15], [sflag:$0x2], $0x80, s18, s14, $0xb8;
	[tilespmem:$0x1CC00] =	vst v63  }
0x32: {  	_ =	swait.ge [sflag:s12], $0x3E80  }
0x33: {  	s17 =	sadd.s32 $0x1, s17;
	[sflag:s12] =	ssyncset.done $0x0  }
0x34: {  	p0 =	sne.s32 s17, s10;
	[sflag:s12] =	ssyncadd.s32 $0xFFFFC180  }
.Ltmp1:
0x35: {  	[bflag:$0x0] =	sbarrier.arrive $0xFFFF;
	(pc) =	sbr.rel @p0 .LBB2_1-.Ltmp1, $4  }
0x36: {  	[hbm:s9], [sflag:s6] =	dma.local [spmem:s11], $0x2780  }
0x37: {  	_ =	swait.ge [sflag:s12], $0x2780  }
0x38: {  	[sflag:s12] =	ssyncset.done $0x0  }
0x39: {  	[sflag:s12] =	ssyncadd.s32 $0xFFFFD880  }
0x3a: {  	_ =	sfence.sel $0x180000  }
0x3b: {  	[bflag:$0x0] =	sbarrier.arrive $0xFFFF  }
0x3c: {  	p0 =	sne.s32 s0, $0x0;
	_ =	strace $0x90000047  }
0x3d: {  	s0 =	sadd.s32 @!p0 $0x100000, s1;
	[bflag:$0x2] =	sbarrier.arrive $0xFFFF  }
0x3e: {  	[sflag:s0] =	ssyncadd.tile.s32 @!p0 $0x1;
	_ =	shalt  }
.Lfunc_end2:
_tile_overlayer_lowered:
.L_overlay_start_2:
0x3f: {  	(tag) =	ssettag $0x2  }
0x40: {  	s0 =	rddreg [dreg:$0x0];
	s2 =	stileid.u32  }
0x41: {  	s1 =	rddreg [dreg:$0x1];
	p0 =	sne.s32 s2, $0x0  }
0x42: {  	s3 =	rddreg [dreg:$0x2];
	[bflag:$0x3] =	sbarrier.arrive $0xFFFF;
	s2 =	simm.s32 @!p0 $0x1C02  }
0x43: {  	[timem:s3], [sflag:s2] =	dma.local @!p0 [hbm:s0], s1  }
0x44: {  	s0 =	simm.s32 @!p0 $0x2  }
0x45: {  	_ =	swait.ge @!p0 [sflag:s0], s1  }
0x46: {  	s1 =	ssub.s32 @!p0 $0x0, s1;
	[sflag:s0] =	ssyncset.done @!p0 $0x0  }
0x47: {  	[sflag:s0] =	ssyncadd.s32 @!p0 s1  }
0x48: {  	[bflag:$0x3] =	sbarrier.arrive $0xFFFF  }
0x49: {  	_ =	shalt  }

// kernel: kernel.16.cloned.1.call-start
scs
__scs_entry_jumppad:
0x0: {  	(pc) =	sbr.rel $0x88, $3  }
0x1: {  	(tag) =	ssettag $0x0;
	lr =	simm.s32 $0x1  }
0x2: {  	[smem:$0x3F98] =	sst lr;
	_ =	strace $0xD0000000  }
0x3: {  	_ = 	snop  }
0x4: {  	_ = 	snop  }
0x5: {  	_ = 	snop  }
0x6: {  	_ = 	snop  }
0x7: {  	_ = 	snop  }
__scs_overlays_trampoline_lowered:
0x8: {  	[smem:$0x3FA7] =	sst s0  }
0x9: {  	[smem:$0x3FA8] =	sst s1  }
0xa: {  	[smem:$0x3FA9] =	sst s2  }
0xb: {  	[smem:$0x3FAA] =	sst s3  }
0xc: {  	[smem:$0x3FAB] =	sst s4  }
0xd: {  	[smem:$0x3FAC] =	sst s5  }
0xe: {  	[smem:$0x3FAD] =	sst s6  }
0xf: {  	[smem:$0x3FAE] =	sst s7  }
0x10: {  	[smem:$0x3FAF] =	sst s8  }
0x11: {  	[smem:$0x3FB0] =	sst s9;
	s0 =	simm.s32 @!p0 $0x0  }
0x12: {  	s1 =	sld [smem:$0x3F96];
	s0 =	simm.s32 @p0 $0x1  }
0x13: {  	[smem:$0x3FB1] =	sst s0;
	s0 =	simm.s32 @!p1 $0x0  }
0x14: {  	s2 =	sld [smem:$0x3F95];
	s0 =	simm.s32 @p1 $0x1  }
0x15: {  	[smem:$0x3FB2] =	sst s0;
	s0 =	simm.s32 @!p2 $0x0  }
0x16: {  	s3 =	sld [smem:$0x3FDB];
	s0 =	simm.s32 @p2 $0x1  }
0x17: {  	s4 =	simm.s32 $0x1BF5;
	[smem:$0x3FB4] =	sst s0  }
0x18: {  	s0 =	sld [smem:$0x3F97];
	_ =	swait.ge [sflag:s4], $0x0  }
0x19: {  	s7 =	sld [smem:$0x3F98]  }
0x1a: {  	s8 =	sadd.s32 $0xFFFFE003, lr  }
0x1b: {  	s9 =	sadd.s32 $0xFFFFFEF7, lr;
	s5 =	simm.s32 $0xFFFFFFFF;
	p2 =	slt.u32 s8, $0xFFFFF086  }
0x1c: {  	p1 =	slt.u32 s9, $0xF7A;
	s5 =	simm.s32 @!p2 $0x0  }
0x1d: {  	s5 =	simm.s32 @p1 $0x1;
	p0 =	seq.s32 s7, s2  }
0x1e: {  	s7 =	smul.u32 @!p0 $0xF7A, s2;
	p2 =	seq.s32 @!p0 s5, $0x0  }
0x1f: {  	s9 =	smul.u32 $0xF7A, s1;
	s8 =	simm.s32 @!p0 $0x1BF5;
	p2 =	por !p2, p0  }
0x20: {  	[sflag:s8] =	ssyncset.s32 @!p0 $0xFFFFF086;
	s6 =	sadd.s32 @!p0 s3, s7;
	s7 =	simm.s32 @!p0 $0x108  }
0x21: {  	s3 =	sadd.s32 s3, s9;
	s6 =	sadd.s32 @!p0 $0x88, s6;
	s7 =	simm.s32 @p2 $0x1082  }
0x22: {  	[simem:s7], [sflag:s8] =	dma.local @!p0 [hbm:s6], $0xF7A  }
0x23: {  	s9 =	sor.u32 $0xD0000000, s2;
	s6 =	simm.s32 $0x108;
	_ =	swait.ge @!p0 [sflag:s8], $0x0  }
0x24: {  	s3 =	sadd.s32 $0x88, s3;
	s6 =	simm.s32 @!p1 $0x1082;
	[sflag:s4] =	ssyncset.s32 $0xFFFFF086  }
0x25: {  	[simem:s6], [sflag:s4] =	dma.local [hbm:s3], $0xF7A  }
0x26: {  	[smem:$0x3F98] =	sst s1;
	(tag) =	ssettag s2;
	_ =	strace s9  }
0x27: {  	s1 =	sld [smem:$0x3FA8]  }
0x28: {  	s2 =	sld [smem:$0x3FA9]  }
0x29: {  	s4 =	sld [smem:$0x3FAB]  }
0x2a: {  	p0 =	seq.s32 s5, $0x0;
	s5 =	sld [smem:$0x3FAC]  }
0x2b: {  	s6 =	sld [smem:$0x3FAD]  }
0x2c: {  	s7 =	sld [smem:$0x3FAE]  }
0x2d: {  	s3 =	simm.s32 $0x108;
	s8 =	sld [smem:$0x3FAF]  }
0x2e: {  	s3 =	simm.s32 @!p0 $0x1082;
	s9 =	sld [smem:$0x3FB0]  }
0x2f: {  	lr =	sadd.s32 s0, s3;
	s0 =	sld [smem:$0x3FA7]  }
0x30: {  	s3 =	sld [smem:$0x3FAA]  }
0x31: {  	[smem:$0x3FB3] =	sst s10  }
0x32: {  	s10 =	sld [smem:$0x3FB1];
	_ =	sdelay $0x3  }
0x33: {  	p0 =	seq.s32 s10, $0x1;
	s10 =	sld [smem:$0x3FB3];
	_ =	sdelay $0x3  }
0x34: {  	[smem:$0x3FB3] =	sst s10  }
0x35: {  	s10 =	sld [smem:$0x3FB2];
	_ =	sdelay $0x3  }
0x36: {  	p1 =	seq.s32 s10, $0x1;
	s10 =	sld [smem:$0x3FB3];
	_ =	sdelay $0x3  }
0x37: {  	[smem:$0x3FB3] =	sst s10  }
0x38: {  	s10 =	sld [smem:$0x3FB4]  }
0x39: {  	_ = 	snop;
	(pc) =	sbr.ind lr, $3  }
0x3a: {  	_ = 	snop  }
0x3b: {  	_ = 	snop  }
0x3c: {  	p2 =	seq.s32 s10, $0x1;
	s10 =	sld [smem:$0x3FB3]  }
0x3d: {  	_ =	shalt  }
0x3e: {  	_ =	shalt  }
0x3f: {  	_ =	shalt  }
0x40: {  	_ =	shalt  }
0x41: {  	_ =	shalt  }
0x42: {  	_ =	shalt  }
0x43: {  	_ =	shalt  }
0x44: {  	_ =	shalt  }
0x45: {  	_ =	shalt  }
0x46: {  	_ =	shalt  }
0x47: {  	_ =	shalt  }
0x48: {  	_ =	shalt  }
0x49: {  	_ =	shalt  }
0x4a: {  	_ =	shalt  }
0x4b: {  	_ =	shalt  }
0x4c: {  	_ =	shalt  }
0x4d: {  	_ =	shalt  }
0x4e: {  	_ =	shalt  }
0x4f: {  	_ =	shalt  }
0x50: {  	_ =	shalt  }
0x51: {  	_ =	shalt  }
0x52: {  	_ =	shalt  }
0x53: {  	_ =	shalt  }
0x54: {  	_ =	shalt  }
0x55: {  	_ =	shalt  }
0x56: {  	_ =	shalt  }
0x57: {  	_ =	shalt  }
0x58: {  	_ =	shalt  }
0x59: {  	_ =	shalt  }
0x5a: {  	_ =	shalt  }
0x5b: {  	_ =	shalt  }
0x5c: {  	_ =	shalt  }
0x5d: {  	_ =	shalt  }
0x5e: {  	_ =	shalt  }
0x5f: {  	_ =	shalt  }
0x60: {  	_ =	shalt  }
0x61: {  	_ =	shalt  }
0x62: {  	_ =	shalt  }
0x63: {  	_ =	shalt  }
0x64: {  	_ =	shalt  }
0x65: {  	_ =	shalt  }
0x66: {  	_ =	shalt  }
0x67: {  	_ =	shalt  }
0x68: {  	_ =	shalt  }
0x69: {  	_ =	shalt  }
0x6a: {  	_ =	shalt  }
0x6b: {  	_ =	shalt  }
0x6c: {  	_ =	shalt  }
0x6d: {  	_ =	shalt  }
0x6e: {  	_ =	shalt  }
0x6f: {  	_ =	shalt  }
0x70: {  	_ =	shalt  }
0x71: {  	_ =	shalt  }
0x72: {  	_ =	shalt  }
0x73: {  	_ =	shalt  }
0x74: {  	_ =	shalt  }
0x75: {  	_ =	shalt  }
0x76: {  	_ =	shalt  }
0x77: {  	_ =	shalt  }
0x78: {  	_ =	shalt  }
0x79: {  	_ =	shalt  }
0x7a: {  	_ =	shalt  }
0x7b: {  	_ =	shalt  }
0x7c: {  	_ =	shalt  }
0x7d: {  	_ =	shalt  }
0x7e: {  	_ =	shalt  }
0x7f: {  	_ =	shalt  }
0x80: {  	_ =	shalt  }
0x81: {  	_ =	shalt  }
0x82: {  	_ =	shalt  }
0x83: {  	_ =	shalt  }
0x84: {  	_ =	shalt  }
0x85: {  	_ =	shalt  }
0x86: {  	_ =	shalt  }
0x87: {  	_ =	shalt  }
.Lfunc_end0:
.L_simem_size_0:
called_computation.1_lowered:
.L_overlay_start_0:
0x88: {  	s2 =	sld [smem:$0x3FD9]  }
0x89: {  	s3 =	sld [smem:$0x3FFE];
	_ =	sdelay $0x1  }
0x8a: {  	s1 =	srdreg.scid  }
0x8b: {  	s0 =	sand.u32 $0x1, s1  }
0x8c: {  	s16 =	sshll.u32 s0, $0xA;
	s2 =	sadd.s32 s3, s2  }
0x8d: {  	s2 =	sadd.s32 s2, s16  }
0x8e: {  	[smem:$0x3FBF] =	sst s2  }
0x8f: {  	_ = 	snop  }
0x90: {  	(tm) =	ssettm $0x1  }
0x91: {  	s17 =	sld [smem:$0x3FFB];
	_ =	sdelay $0x3  }
0x92: {  	_ =	strace s17  }
0x93: {  	s2 =	sld [smem:$0x3FFC];
	_ =	sdelay $0x3  }
0x94: {  	_ =	strace s2  }
0x95: {  	s2 =	sld [smem:$0x3FFD];
	_ =	sdelay $0x3  }
0x96: {  	_ =	strace s2  }
0x97: {  	_ =	strace $0x8FFFFFFF  }
0x98: {  	s18 =	sld [smem:$0x3FDB];
	_ =	sdelay $0x1  }
0x99: {  	s19 =	simm.s32 $_scs_section_size  }
0x9a: {  	s4 =	simm.s32 $_size__tile_overlayer_lowered;
	s5 =	simm.s32 $_tile_overlayer_lowered  }
0x9b: {  	s22 =	simm.s32 $0x1BFF;
	s21 =	sshll.u32 s5, $0x1;
	s2 =	sadd.s32 s19, s18  }
0x9c: {  	s6 =	simm.s32 $0x0;
	s20 =	sshll.u32 s4, $0x1;
	s4 =	sadd.s32 s21, s2  }
0x9d: {  	[timem:s6], [sflag:s22] =	dma.local [hbm:s4], s20  }
0x9e: {  	_ =	swait.ge [sflag:s22], s20  }
0x9f: {  	s3 =	ssub.s32 $0x0, s20;
	[sflag:s22] =	ssyncset.done $0x0  }
0xa0: {  	[sflag:s22] =	ssyncadd.s32 s3;
	_ =	sdelay $0x1  }
0xa1: {  	s23 =	simm.s32 $0x1B8B  }
0xa2: {  	_ =	swait.ge [sflag:s23], $0x1  }
0xa3: {  	[sflag:s23] =	ssyncset.done $0x0  }
0xa4: {  	s25 =	simm.s32 $0x1B8E;
	s24 =	sld [smem:$0x3FFE];
	[sflag:s23] =	ssyncadd.s32 $0xFFFFFFFF  }
0xa5: {  	s26 =	simm.s32 $execute0_lowered;
	[smem:$0x3FD2] =	sst s25  }
0xa6: {  	s4 =	sshll.u32 s26, $0x1;
	_ =	strace $0x80000049;
	[dreg:$0x1] =	wrdreg $0xFFFFFFFF  }
0xa7: {  	s28 =	simm.s32 $_size_execute0_lowered;
	s2 =	sadd.s32 s2, s4;
	[dreg:$0x0] =	wrdreg $0x0  }
0xa8: {  	s4 =	sshll.u32 s28, $0x1;
	[dreg:$0x2] =	wrdreg s2  }
0xa9: {  	[dreg:$0x3] =	wrdreg s4  }
0xaa: {  	[dreg:$0x4] =	wrdreg $0xC0  }
0xab: {  	_ =	task [dreg:s6], $0x5FFFF  }
0xac: {  	[dreg:$0x1] =	wrdreg $0xFFFFFFFF  }
0xad: {  	[dreg:$0x0] =	wrdreg $0x60  }
0xae: {  	[dreg:$0x2] =	wrdreg s24  }
0xaf: {  	[dreg:$0x3] =	wrdreg $0x90000  }
0xb0: {  	[dreg:$0x4] =	wrdreg $0x9  }
0xb1: {  	_ =	task.clear_ibuf [dreg:s6], $0x5FFFF;
	_ =	strace $0x90000049  }
0xb2: {  	s29 =	simm.s32 $0x9;
	_ =	strace $0x8000004B  }
0xb3: {  	_ =	swait.ge [sflag:s29], $0x1  }
0xb4: {  	[sflag:s29] =	ssyncadd.s32 $0xFFFFFFFF  }
0xb5: {  	_ =	strace $0x9000004B  }
0xb6: {  	_ =	sfence  }
0xb7: {  	s30 =	sld [smem:$0x0];
	_ =	sdelay $0x2  }
0xb8: {  	s31 =	sshll.u32 s1, $0xD;
	s1 =	sshrl.u32 s1, $0x2  }
0xb9: {  	s3 =	sand.u32 $0x4000, s31;
	s1 =	sadd.s32 s1, s30  }
0xba: {  	s0 =	sor.u32 s3, s0;
	s1 =	sshll.u32 s1, $0x11  }
0xbb: {  	s0 =	sor.u32 s1, s0  }
0xbc: {  	s0 =	sadd.s32 $0x8F2B, s0  }
0xbd: {  	[sflag:s0] =	ssyncadd.remote.s32 $0x1  }
0xbe: {  	_ =	sfence.sel $0xFFFF  }
0xbf: {  	[dreg:$0x0] =	wrdreg $0xFFFFFFFF;
	(pc) =	sbr.abs _section_cstart, $3  }
0xc0: {  	[dreg:$0x1] =	wrdreg $0xFFFFFFFF  }
0xc1: {  	_ =	task.clear_ibuf [dreg:s6], $0x2FFFF;
	_ =	strace $0x9FFFFFFF  }
0xc2: {  	(tm) =	ssettm $0x7FFFFFFF  }
0xc3: {  	_ =	shalt  }
tec
execute0_lowered:
.L_overlay_start_1:
0x0: {  	(tag) =	ssettag $0x1  }
0x1: {  	s0 =	srdreg.scid;
	s6 =	rddreg [dreg:$0x0]  }
0x2: {  	s2 =	rddreg [dreg:$0x1];
	s3 =	simm.s32 $0x0;
	s13 =	simm.s32 $0x2800  }
0x3: {  	s14 =	simm.s32 $0x7D;
	s5 =	sand.u32 $0x1, s0;
	s0 =	stileid.u32  }
0x4: {  	s15 =	simm.s32 $0x5000;
	s16 =	simm.s32 $0x1;
	s8 =	smul.u32 $0x500, s0  }
0x5: {  	s17 =	simm.s32 $0x0;
	[smem:$0x7FF] =	sst s3;
	s9 =	smul.u32 $0x2780, s0  }
0x6: {  	s1 =	sshll.u32 s5, $0x4;
	s10 =	smul.u32 $0x27800, s5;
	s5 =	ssub.s32 $0x2, s5  }
0x7: {  	s11 =	smul.u32 $0x4F000, s0;
	s31 =	sshll.u32 s0, $0x6;
	s4 =	sor.u32 s0, s1  }
0x8: {  	s1 =	rddreg [dreg:$0x2];
	_ =	strace $0x8000004A;
	s29 =	sshrl.u32 s5, $0x1  }
0x9: {  	s7 =	smul.u32 $0x500, s4;
	s4 =	sadd.s32 $0x174C00, s6;
	s8 =	sadd.s32 s8, s6  }
0xa: {  	s12 =	sadd.s32 s9, s6;
	s9 =	sadd.s32 s9, s10;
	s30 =	sshrl.u32 s11, $0x2  }
0xb: {  	s10 =	ssub.s32 s5, s29;
	s9 =	sadd.s32 s9, s6;
	s11 =	sadd.s32 s30, s2  }
0xc: {  	s5 =	sadd.s32 $0x14D400, s12;
	s8 =	sadd.s32 $0xFC00, s8;
	s10 =	smax.u32 s10, $0x1  }
0xd: {  	s12 =	simm.s32 $0x2;
	s7 =	sadd.s32 s7, s6;
	s6 =	sor.u32 $0x1C02, s31  }
0xe: {  	s9 =	sadd.s32 $0x62E00, s9;
	s11 =	sshrl.u32 s11, $0x3;
	s7 =	sadd.s32 $0x5C00, s7  }
.LBB2_1:
0xf: {  	[spmem:s11], [sflag:s6] =	dma.local [hbm:s5], $0x2780  }
0x10: {  	_ =	swait.ge [sflag:s12], $0x2780  }
0x11: {  	[sflag:s12] =	ssyncset.done $0x0  }
0x12: {  	[sflag:s12] =	ssyncadd.s32 $0xFFFFD880  }
0x13: {  	[tilespmem:s3], [sflag:$0x2] =	stream.linear.gather [hbm4b:s7+s3], $0x2800, $0x38;
	[tilespmem:$0x1CC00] =	vst v63  }
0x14: {  	_ =	swait.ge [sflag:s12], $0x2800  }
0x15: {  	[sflag:s12] =	ssyncset.done $0x0  }
0x16: {  	[sflag:s12] =	ssyncadd.s32 $0xFFFFD800  }
0x17: {  	[tilespmem:s13], [sflag:$0x2] =	stream.linear.gather [hbm4b:s8+s3], $0x2800, $0x38;
	[tilespmem:$0x1CC00] =	vst v63  }
0x18: {  	_ =	swait.ge [sflag:s12], $0x2800  }
0x19: {  	[sflag:s12] =	ssyncset.done $0x0  }
0x1a: {  	[sflag:s12] =	ssyncadd.s32 $0xFFFFD800  }
0x1b: {  	s18 =	simm.s32 $0x0;
	[bflag:$0x0] =	sbarrier.arrive $0xFFFF  }
0x1c: {  	[tilespmem:s15], [sflag:$0x1] =	stream.indirect.gather [hbm4b:s4+s14], $0x80, s18, s14, $0xb8;
	[tilespmem:$0x1CC00] =	vst v63  }
0x1d: {  	_ =	swait.ge [sflag:s16], $0x3E80  }
0x1e: {  	[sflag:s16] =	ssyncset.done $0x0  }
0x1f: {  	s31 =	simm.s32 $0x2800;
	[sflag:s16] =	ssyncadd.s32 $0xFFFFC180  }
0x20: {  	[spmem:s2] =	stream.indirect.scatter.add.f32 [tilespmem:s15], [sflag:$0x2], $0x80, s31, s14, $0xb8;
	[tilespmem:$0x1CC00] =	vst v63  }
0x21: {  	_ =	swait.ge [sflag:s12], $0x3E80  }
0x22: {  	s19 =	simm.s32 $0x400;
	s18 =	simm.s32 $0x200;
	[sflag:s12] =	ssyncset.done $0x0  }
.LBB2_2:
0x23: {  	s20 =	sshra.s32 s18, $0x2  }
0x24: {  	[sflag:s12] =	ssyncadd.s32 $0xFFFFC180;
	s18 =	smov.u32 s19;
	s21 =	sadd.s32 $0x200, s19  }
0x25: {  	[tilespmem:s15], [sflag:$0x1] =	stream.indirect.gather [hbm4b:s4+s14], $0x80, s20, s14, $0xb8;
	[tilespmem:$0x1CC00] =	vst v63  }
0x26: {  	p0 =	sne.s32 s19, $0x9E00;
	_ =	swait.ge [sflag:s16], $0x3E80  }
.Ltmp0:
0x27: {  	[sflag:s16] =	ssyncset.done $0x0;
	(pc) =	sbr.rel @p0 .LBB2_2-.Ltmp0, $4  }
0x28: {  	s19 =	sadd.s32 $0x2800, s20;
	[sflag:s16] =	ssyncadd.s32 $0xFFFFC180  }
0x29: {  	[spmem:s2] =	stream.indirect.scatter.add.f32 [tilespmem:s15], [sflag:$0x2], $0x80, s19, s14, $0xb8;
	[tilespmem:$0x1CC00] =	vst v63  }
0x2a: {  	_ =	swait.ge [sflag:s12], $0x3E80  }
0x2b: {  	s19 =	smov.u32 s21;
	[sflag:s12] =	ssyncset.done $0x0  }
0x2c: {  	s18 =	sshra.s32 s18, $0x2;
	[sflag:s12] =	ssyncadd.s32 $0xFFFFC180  }
0x2d: {  	[tilespmem:s15], [sflag:$0x1] =	stream.indirect.gather [hbm4b:s4+s14], $0x80, s18, s14, $0xb8;
	[tilespmem:$0x1CC00] =	vst v63  }
0x2e: {  	_ =	swait.ge [sflag:s16], $0x3E80  }
0x2f: {  	[sflag:s16] =	ssyncset.done $0x0  }
0x30: {  	s18 =	sadd.s32 $0x2800, s18;
	[sflag:s16] =	ssyncadd.s32 $0xFFFFC180  }
0x31: {  	[spmem:s2] =	stream.indirect.scatter.add.f32 [tilespmem:s15], [sflag:$0x2], $0x80, s18, s14, $0xb8;
	[tilespmem:$0x1CC00] =	vst v63  }
0x32: {  	_ =	swait.ge [sflag:s12], $0x3E80  }
0x33: {  	s17 =	sadd.s32 $0x1, s17;
	[sflag:s12] =	ssyncset.done $0x0  }
0x34: {  	p0 =	sne.s32 s17, s10;
	[sflag:s12] =	ssyncadd.s32 $0xFFFFC180  }
.Ltmp1:
0x35: {  	[bflag:$0x0] =	sbarrier.arrive $0xFFFF;
	(pc) =	sbr.rel @p0 .LBB2_1-.Ltmp1, $4  }
0x36: {  	[hbm:s9], [sflag:s6] =	dma.local [spmem:s11], $0x2780  }
0x37: {  	_ =	swait.ge [sflag:s12], $0x2780  }
0x38: {  	[sflag:s12] =	ssyncset.done $0x0  }
0x39: {  	[sflag:s12] =	ssyncadd.s32 $0xFFFFD880  }
0x3a: {  	_ =	sfence.sel $0x180000  }
0x3b: {  	[bflag:$0x0] =	sbarrier.arrive $0xFFFF  }
0x3c: {  	p0 =	sne.s32 s0, $0x0;
	_ =	strace $0x9000004A  }
0x3d: {  	s0 =	sadd.s32 @!p0 $0x100000, s1;
	[bflag:$0x2] =	sbarrier.arrive $0xFFFF  }
0x3e: {  	[sflag:s0] =	ssyncadd.tile.s32 @!p0 $0x1;
	_ =	shalt  }
.Lfunc_end2:
_tile_overlayer_lowered:
.L_overlay_start_2:
0x3f: {  	(tag) =	ssettag $0x2  }
0x40: {  	s0 =	rddreg [dreg:$0x0];
	s2 =	stileid.u32  }
0x41: {  	s1 =	rddreg [dreg:$0x1];
	p0 =	sne.s32 s2, $0x0  }
0x42: {  	s3 =	rddreg [dreg:$0x2];
	[bflag:$0x3] =	sbarrier.arrive $0xFFFF;
	s2 =	simm.s32 @!p0 $0x1C02  }
0x43: {  	[timem:s3], [sflag:s2] =	dma.local @!p0 [hbm:s0], s1  }
0x44: {  	s0 =	simm.s32 @!p0 $0x2  }
0x45: {  	_ =	swait.ge @!p0 [sflag:s0], s1  }
0x46: {  	s1 =	ssub.s32 @!p0 $0x0, s1;
	[sflag:s0] =	ssyncset.done @!p0 $0x0  }
0x47: {  	[sflag:s0] =	ssyncadd.s32 @!p0 s1  }
0x48: {  	[bflag:$0x3] =	sbarrier.arrive $0xFFFF  }
0x49: {  	_ =	shalt  }

// kernel: kernel.19.cloned.1.call-start
scs
__scs_entry_jumppad:
0x0: {  	(pc) =	sbr.rel $0x88, $3  }
0x1: {  	(tag) =	ssettag $0x0;
	lr =	simm.s32 $0x1  }
0x2: {  	[smem:$0x3F98] =	sst lr;
	_ =	strace $0xD0000000  }
0x3: {  	_ = 	snop  }
0x4: {  	_ = 	snop  }
0x5: {  	_ = 	snop  }
0x6: {  	_ = 	snop  }
0x7: {  	_ = 	snop  }
__scs_overlays_trampoline_lowered:
0x8: {  	[smem:$0x3FA7] =	sst s0  }
0x9: {  	[smem:$0x3FA8] =	sst s1  }
0xa: {  	[smem:$0x3FA9] =	sst s2  }
0xb: {  	[smem:$0x3FAA] =	sst s3  }
0xc: {  	[smem:$0x3FAB] =	sst s4  }
0xd: {  	[smem:$0x3FAC] =	sst s5  }
0xe: {  	[smem:$0x3FAD] =	sst s6  }
0xf: {  	[smem:$0x3FAE] =	sst s7  }
0x10: {  	[smem:$0x3FAF] =	sst s8  }
0x11: {  	[smem:$0x3FB0] =	sst s9;
	s0 =	simm.s32 @!p0 $0x0  }
0x12: {  	s1 =	sld [smem:$0x3F96];
	s0 =	simm.s32 @p0 $0x1  }
0x13: {  	[smem:$0x3FB1] =	sst s0;
	s0 =	simm.s32 @!p1 $0x0  }
0x14: {  	s2 =	sld [smem:$0x3F95];
	s0 =	simm.s32 @p1 $0x1  }
0x15: {  	[smem:$0x3FB2] =	sst s0;
	s0 =	simm.s32 @!p2 $0x0  }
0x16: {  	s3 =	sld [smem:$0x3FDB];
	s0 =	simm.s32 @p2 $0x1  }
0x17: {  	s4 =	simm.s32 $0x1BF5;
	[smem:$0x3FB4] =	sst s0  }
0x18: {  	s0 =	sld [smem:$0x3F97];
	_ =	swait.ge [sflag:s4], $0x0  }
0x19: {  	s7 =	sld [smem:$0x3F98]  }
0x1a: {  	s8 =	sadd.s32 $0xFFFFE003, lr  }
0x1b: {  	s9 =	sadd.s32 $0xFFFFFEF7, lr;
	s5 =	simm.s32 $0xFFFFFFFF;
	p2 =	slt.u32 s8, $0xFFFFF086  }
0x1c: {  	p1 =	slt.u32 s9, $0xF7A;
	s5 =	simm.s32 @!p2 $0x0  }
0x1d: {  	s5 =	simm.s32 @p1 $0x1;
	p0 =	seq.s32 s7, s2  }
0x1e: {  	s7 =	smul.u32 @!p0 $0xF7A, s2;
	p2 =	seq.s32 @!p0 s5, $0x0  }
0x1f: {  	s9 =	smul.u32 $0xF7A, s1;
	s8 =	simm.s32 @!p0 $0x1BF5;
	p2 =	por !p2, p0  }
0x20: {  	[sflag:s8] =	ssyncset.s32 @!p0 $0xFFFFF086;
	s6 =	sadd.s32 @!p0 s3, s7;
	s7 =	simm.s32 @!p0 $0x108  }
0x21: {  	s3 =	sadd.s32 s3, s9;
	s6 =	sadd.s32 @!p0 $0x88, s6;
	s7 =	simm.s32 @p2 $0x1082  }
0x22: {  	[simem:s7], [sflag:s8] =	dma.local @!p0 [hbm:s6], $0xF7A  }
0x23: {  	s9 =	sor.u32 $0xD0000000, s2;
	s6 =	simm.s32 $0x108;
	_ =	swait.ge @!p0 [sflag:s8], $0x0  }
0x24: {  	s3 =	sadd.s32 $0x88, s3;
	s6 =	simm.s32 @!p1 $0x1082;
	[sflag:s4] =	ssyncset.s32 $0xFFFFF086  }
0x25: {  	[simem:s6], [sflag:s4] =	dma.local [hbm:s3], $0xF7A  }
0x26: {  	[smem:$0x3F98] =	sst s1;
	(tag) =	ssettag s2;
	_ =	strace s9  }
0x27: {  	s1 =	sld [smem:$0x3FA8]  }
0x28: {  	s2 =	sld [smem:$0x3FA9]  }
0x29: {  	s4 =	sld [smem:$0x3FAB]  }
0x2a: {  	p0 =	seq.s32 s5, $0x0;
	s5 =	sld [smem:$0x3FAC]  }
0x2b: {  	s6 =	sld [smem:$0x3FAD]  }
0x2c: {  	s7 =	sld [smem:$0x3FAE]  }
0x2d: {  	s3 =	simm.s32 $0x108;
	s8 =	sld [smem:$0x3FAF]  }
0x2e: {  	s3 =	simm.s32 @!p0 $0x1082;
	s9 =	sld [smem:$0x3FB0]  }
0x2f: {  	lr =	sadd.s32 s0, s3;
	s0 =	sld [smem:$0x3FA7]  }
0x30: {  	s3 =	sld [smem:$0x3FAA]  }
0x31: {  	[smem:$0x3FB3] =	sst s10  }
0x32: {  	s10 =	sld [smem:$0x3FB1];
	_ =	sdelay $0x3  }
0x33: {  	p0 =	seq.s32 s10, $0x1;
	s10 =	sld [smem:$0x3FB3];
	_ =	sdelay $0x3  }
0x34: {  	[smem:$0x3FB3] =	sst s10  }
0x35: {  	s10 =	sld [smem:$0x3FB2];
	_ =	sdelay $0x3  }
0x36: {  	p1 =	seq.s32 s10, $0x1;
	s10 =	sld [smem:$0x3FB3];
	_ =	sdelay $0x3  }
0x37: {  	[smem:$0x3FB3] =	sst s10  }
0x38: {  	s10 =	sld [smem:$0x3FB4]  }
0x39: {  	_ = 	snop;
	(pc) =	sbr.ind lr, $3  }
0x3a: {  	_ = 	snop  }
0x3b: {  	_ = 	snop  }
0x3c: {  	p2 =	seq.s32 s10, $0x1;
	s10 =	sld [smem:$0x3FB3]  }
0x3d: {  	_ =	shalt  }
0x3e: {  	_ =	shalt  }
0x3f: {  	_ =	shalt  }
0x40: {  	_ =	shalt  }
0x41: {  	_ =	shalt  }
0x42: {  	_ =	shalt  }
0x43: {  	_ =	shalt  }
0x44: {  	_ =	shalt  }
0x45: {  	_ =	shalt  }
0x46: {  	_ =	shalt  }
0x47: {  	_ =	shalt  }
0x48: {  	_ =	shalt  }
0x49: {  	_ =	shalt  }
0x4a: {  	_ =	shalt  }
0x4b: {  	_ =	shalt  }
0x4c: {  	_ =	shalt  }
0x4d: {  	_ =	shalt  }
0x4e: {  	_ =	shalt  }
0x4f: {  	_ =	shalt  }
0x50: {  	_ =	shalt  }
0x51: {  	_ =	shalt  }
0x52: {  	_ =	shalt  }
0x53: {  	_ =	shalt  }
0x54: {  	_ =	shalt  }
0x55: {  	_ =	shalt  }
0x56: {  	_ =	shalt  }
0x57: {  	_ =	shalt  }
0x58: {  	_ =	shalt  }
0x59: {  	_ =	shalt  }
0x5a: {  	_ =	shalt  }
0x5b: {  	_ =	shalt  }
0x5c: {  	_ =	shalt  }
0x5d: {  	_ =	shalt  }
0x5e: {  	_ =	shalt  }
0x5f: {  	_ =	shalt  }
0x60: {  	_ =	shalt  }
0x61: {  	_ =	shalt  }
0x62: {  	_ =	shalt  }
0x63: {  	_ =	shalt  }
0x64: {  	_ =	shalt  }
0x65: {  	_ =	shalt  }
0x66: {  	_ =	shalt  }
0x67: {  	_ =	shalt  }
0x68: {  	_ =	shalt  }
0x69: {  	_ =	shalt  }
0x6a: {  	_ =	shalt  }
0x6b: {  	_ =	shalt  }
0x6c: {  	_ =	shalt  }
0x6d: {  	_ =	shalt  }
0x6e: {  	_ =	shalt  }
0x6f: {  	_ =	shalt  }
0x70: {  	_ =	shalt  }
0x71: {  	_ =	shalt  }
0x72: {  	_ =	shalt  }
0x73: {  	_ =	shalt  }
0x74: {  	_ =	shalt  }
0x75: {  	_ =	shalt  }
0x76: {  	_ =	shalt  }
0x77: {  	_ =	shalt  }
0x78: {  	_ =	shalt  }
0x79: {  	_ =	shalt  }
0x7a: {  	_ =	shalt  }
0x7b: {  	_ =	shalt  }
0x7c: {  	_ =	shalt  }
0x7d: {  	_ =	shalt  }
0x7e: {  	_ =	shalt  }
0x7f: {  	_ =	shalt  }
0x80: {  	_ =	shalt  }
0x81: {  	_ =	shalt  }
0x82: {  	_ =	shalt  }
0x83: {  	_ =	shalt  }
0x84: {  	_ =	shalt  }
0x85: {  	_ =	shalt  }
0x86: {  	_ =	shalt  }
0x87: {  	_ =	shalt  }
.Lfunc_end0:
.L_simem_size_0:
called_computation.2_lowered:
.L_overlay_start_0:
0x88: {  	s2 =	sld [smem:$0x3FD9]  }
0x89: {  	s3 =	sld [smem:$0x3FFE];
	_ =	sdelay $0x1  }
0x8a: {  	s1 =	srdreg.scid  }
0x8b: {  	s0 =	sand.u32 $0x1, s1  }
0x8c: {  	s16 =	sshll.u32 s0, $0xA;
	s2 =	sadd.s32 s3, s2  }
0x8d: {  	s2 =	sadd.s32 s2, s16  }
0x8e: {  	[smem:$0x3FBF] =	sst s2  }
0x8f: {  	_ = 	snop  }
0x90: {  	(tm) =	ssettm $0x1  }
0x91: {  	s17 =	sld [smem:$0x3FFB];
	_ =	sdelay $0x3  }
0x92: {  	_ =	strace s17  }
0x93: {  	s2 =	sld [smem:$0x3FFC];
	_ =	sdelay $0x3  }
0x94: {  	_ =	strace s2  }
0x95: {  	s2 =	sld [smem:$0x3FFD];
	_ =	sdelay $0x3  }
0x96: {  	_ =	strace s2  }
0x97: {  	_ =	strace $0x8FFFFFFF  }
0x98: {  	s18 =	sld [smem:$0x3FDB];
	_ =	sdelay $0x1  }
0x99: {  	s19 =	simm.s32 $_scs_section_size  }
0x9a: {  	s4 =	simm.s32 $_size__tile_overlayer_lowered;
	s5 =	simm.s32 $_tile_overlayer_lowered  }
0x9b: {  	s22 =	simm.s32 $0x1BFF;
	s21 =	sshll.u32 s5, $0x1;
	s2 =	sadd.s32 s19, s18  }
0x9c: {  	s6 =	simm.s32 $0x0;
	s20 =	sshll.u32 s4, $0x1;
	s4 =	sadd.s32 s21, s2  }
0x9d: {  	[timem:s6], [sflag:s22] =	dma.local [hbm:s4], s20  }
0x9e: {  	_ =	swait.ge [sflag:s22], s20  }
0x9f: {  	s3 =	ssub.s32 $0x0, s20;
	[sflag:s22] =	ssyncset.done $0x0  }
0xa0: {  	[sflag:s22] =	ssyncadd.s32 s3;
	_ =	sdelay $0x1  }
0xa1: {  	s23 =	simm.s32 $0x1B8B  }
0xa2: {  	_ =	swait.ge [sflag:s23], $0x1  }
0xa3: {  	[sflag:s23] =	ssyncset.done $0x0  }
0xa4: {  	s25 =	simm.s32 $0x1B8E;
	s24 =	sld [smem:$0x3FFE];
	[sflag:s23] =	ssyncadd.s32 $0xFFFFFFFF  }
0xa5: {  	s26 =	simm.s32 $execute0_lowered;
	[smem:$0x3FD2] =	sst s25  }
0xa6: {  	s4 =	sshll.u32 s26, $0x1;
	_ =	strace $0x8000004C;
	[dreg:$0x1] =	wrdreg $0xFFFFFFFF  }
0xa7: {  	s28 =	simm.s32 $_size_execute0_lowered;
	s2 =	sadd.s32 s2, s4;
	[dreg:$0x0] =	wrdreg $0x0  }
0xa8: {  	s4 =	sshll.u32 s28, $0x1;
	[dreg:$0x2] =	wrdreg s2  }
0xa9: {  	[dreg:$0x3] =	wrdreg s4  }
0xaa: {  	[dreg:$0x4] =	wrdreg $0xC0  }
0xab: {  	_ =	task [dreg:s6], $0x5FFFF  }
0xac: {  	[dreg:$0x1] =	wrdreg $0xFFFFFFFF  }
0xad: {  	[dreg:$0x0] =	wrdreg $0x60  }
0xae: {  	[dreg:$0x2] =	wrdreg s24  }
0xaf: {  	[dreg:$0x3] =	wrdreg $0x90000  }
0xb0: {  	[dreg:$0x4] =	wrdreg $0x9  }
0xb1: {  	_ =	task.clear_ibuf [dreg:s6], $0x5FFFF;
	_ =	strace $0x9000004C  }
0xb2: {  	s29 =	simm.s32 $0x9;
	_ =	strace $0x8000004E  }
0xb3: {  	_ =	swait.ge [sflag:s29], $0x1  }
0xb4: {  	[sflag:s29] =	ssyncadd.s32 $0xFFFFFFFF  }
0xb5: {  	_ =	strace $0x9000004E  }
0xb6: {  	_ =	sfence  }
0xb7: {  	s30 =	sld [smem:$0x0];
	_ =	sdelay $0x2  }
0xb8: {  	s31 =	sshll.u32 s1, $0xD;
	s1 =	sshrl.u32 s1, $0x2  }
0xb9: {  	s3 =	sand.u32 $0x4000, s31;
	s1 =	sadd.s32 s1, s30  }
0xba: {  	s0 =	sor.u32 s3, s0;
	s1 =	sshll.u32 s1, $0x11  }
0xbb: {  	s0 =	sor.u32 s1, s0  }
0xbc: {  	s0 =	sadd.s32 $0x8F2B, s0  }
0xbd: {  	[sflag:s0] =	ssyncadd.remote.s32 $0x1  }
0xbe: {  	_ =	sfence.sel $0xFFFF  }
0xbf: {  	[dreg:$0x0] =	wrdreg $0xFFFFFFFF;
	(pc) =	sbr.abs _section_cstart, $3  }
0xc0: {  	[dreg:$0x1] =	wrdreg $0xFFFFFFFF  }
0xc1: {  	_ =	task.clear_ibuf [dreg:s6], $0x2FFFF;
	_ =	strace $0x9FFFFFFF  }
0xc2: {  	(tm) =	ssettm $0x7FFFFFFF  }
0xc3: {  	_ =	shalt  }
tec
execute0_lowered:
.L_overlay_start_1:
0x0: {  	(tag) =	ssettag $0x1  }
0x1: {  	s0 =	srdreg.scid;
	s6 =	rddreg [dreg:$0x0]  }
0x2: {  	s2 =	rddreg [dreg:$0x1];
	s3 =	simm.s32 $0x0;
	s13 =	simm.s32 $0x2800  }
0x3: {  	s14 =	simm.s32 $0x7D;
	s5 =	sand.u32 $0x1, s0;
	s0 =	stileid.u32  }
0x4: {  	s15 =	simm.s32 $0x5000;
	s16 =	simm.s32 $0x1;
	s8 =	smul.u32 $0x500, s0  }
0x5: {  	s17 =	simm.s32 $0x0;
	[smem:$0x7FF] =	sst s3;
	s9 =	smul.u32 $0x2780, s0  }
0x6: {  	s1 =	sshll.u32 s5, $0x4;
	s10 =	smul.u32 $0x27800, s5;
	s5 =	ssub.s32 $0x2, s5  }
0x7: {  	s11 =	smul.u32 $0x4F000, s0;
	s31 =	sshll.u32 s0, $0x6;
	s4 =	sor.u32 s0, s1  }
0x8: {  	s1 =	rddreg [dreg:$0x2];
	_ =	strace $0x8000004D;
	s29 =	sshrl.u32 s5, $0x1  }
0x9: {  	s7 =	smul.u32 $0x500, s4;
	s4 =	sadd.s32 $0x14C00, s6;
	s8 =	sadd.s32 s8, s6  }
0xa: {  	s12 =	sadd.s32 s9, s6;
	s9 =	sadd.s32 s9, s10;
	s30 =	sshrl.u32 s11, $0x2  }
0xb: {  	s10 =	ssub.s32 s5, s29;
	s9 =	sadd.s32 s9, s6;
	s11 =	sadd.s32 s30, s2  }
0xc: {  	s5 =	sadd.s32 $0x14D400, s12;
	s8 =	sadd.s32 $0xFC00, s8;
	s10 =	smax.u32 s10, $0x1  }
0xd: {  	s12 =	simm.s32 $0x2;
	s7 =	sadd.s32 s7, s6;
	s6 =	sor.u32 $0x1C02, s31  }
0xe: {  	s9 =	sadd.s32 $0xB1000, s9;
	s11 =	sshrl.u32 s11, $0x3;
	s7 =	sadd.s32 $0x5C00, s7  }
.LBB2_1:
0xf: {  	[spmem:s11], [sflag:s6] =	dma.local [hbm:s5], $0x2780  }
0x10: {  	_ =	swait.ge [sflag:s12], $0x2780  }
0x11: {  	[sflag:s12] =	ssyncset.done $0x0  }
0x12: {  	[sflag:s12] =	ssyncadd.s32 $0xFFFFD880  }
0x13: {  	[tilespmem:s3], [sflag:$0x2] =	stream.linear.gather [hbm4b:s7+s3], $0x2800, $0x38;
	[tilespmem:$0x1CC00] =	vst v63  }
0x14: {  	_ =	swait.ge [sflag:s12], $0x2800  }
0x15: {  	[sflag:s12] =	ssyncset.done $0x0  }
0x16: {  	[sflag:s12] =	ssyncadd.s32 $0xFFFFD800  }
0x17: {  	[tilespmem:s13], [sflag:$0x2] =	stream.linear.gather [hbm4b:s8+s3], $0x2800, $0x38;
	[tilespmem:$0x1CC00] =	vst v63  }
0x18: {  	_ =	swait.ge [sflag:s12], $0x2800  }
0x19: {  	[sflag:s12] =	ssyncset.done $0x0  }
0x1a: {  	[sflag:s12] =	ssyncadd.s32 $0xFFFFD800  }
0x1b: {  	s18 =	simm.s32 $0x0;
	[bflag:$0x0] =	sbarrier.arrive $0xFFFF  }
0x1c: {  	[tilespmem:s15], [sflag:$0x1] =	stream.indirect.gather [hbm4b:s4+s14], $0x80, s18, s14, $0xb8;
	[tilespmem:$0x1CC00] =	vst v63  }
0x1d: {  	_ =	swait.ge [sflag:s16], $0x3E80  }
0x1e: {  	[sflag:s16] =	ssyncset.done $0x0  }
0x1f: {  	s31 =	simm.s32 $0x2800;
	[sflag:s16] =	ssyncadd.s32 $0xFFFFC180  }
0x20: {  	[spmem:s2] =	stream.indirect.scatter.add.f32 [tilespmem:s15], [sflag:$0x2], $0x80, s31, s14, $0xb8;
	[tilespmem:$0x1CC00] =	vst v63  }
0x21: {  	_ =	swait.ge [sflag:s12], $0x3E80  }
0x22: {  	s19 =	simm.s32 $0x400;
	s18 =	simm.s32 $0x200;
	[sflag:s12] =	ssyncset.done $0x0  }
.LBB2_2:
0x23: {  	s20 =	sshra.s32 s18, $0x2  }
0x24: {  	[sflag:s12] =	ssyncadd.s32 $0xFFFFC180;
	s18 =	smov.u32 s19;
	s21 =	sadd.s32 $0x200, s19  }
0x25: {  	[tilespmem:s15], [sflag:$0x1] =	stream.indirect.gather [hbm4b:s4+s14], $0x80, s20, s14, $0xb8;
	[tilespmem:$0x1CC00] =	vst v63  }
0x26: {  	p0 =	sne.s32 s19, $0x9E00;
	_ =	swait.ge [sflag:s16], $0x3E80  }
.Ltmp0:
0x27: {  	[sflag:s16] =	ssyncset.done $0x0;
	(pc) =	sbr.rel @p0 .LBB2_2-.Ltmp0, $4  }
0x28: {  	s19 =	sadd.s32 $0x2800, s20;
	[sflag:s16] =	ssyncadd.s32 $0xFFFFC180  }
0x29: {  	[spmem:s2] =	stream.indirect.scatter.add.f32 [tilespmem:s15], [sflag:$0x2], $0x80, s19, s14, $0xb8;
	[tilespmem:$0x1CC00] =	vst v63  }
0x2a: {  	_ =	swait.ge [sflag:s12], $0x3E80  }
0x2b: {  	s19 =	smov.u32 s21;
	[sflag:s12] =	ssyncset.done $0x0  }
0x2c: {  	s18 =	sshra.s32 s18, $0x2;
	[sflag:s12] =	ssyncadd.s32 $0xFFFFC180  }
0x2d: {  	[tilespmem:s15], [sflag:$0x1] =	stream.indirect.gather [hbm4b:s4+s14], $0x80, s18, s14, $0xb8;
	[tilespmem:$0x1CC00] =	vst v63  }
0x2e: {  	_ =	swait.ge [sflag:s16], $0x3E80  }
0x2f: {  	[sflag:s16] =	ssyncset.done $0x0  }
0x30: {  	s18 =	sadd.s32 $0x2800, s18;
	[sflag:s16] =	ssyncadd.s32 $0xFFFFC180  }
0x31: {  	[spmem:s2] =	stream.indirect.scatter.add.f32 [tilespmem:s15], [sflag:$0x2], $0x80, s18, s14, $0xb8;
	[tilespmem:$0x1CC00] =	vst v63  }
0x32: {  	_ =	swait.ge [sflag:s12], $0x3E80  }
0x33: {  	s17 =	sadd.s32 $0x1, s17;
	[sflag:s12] =	ssyncset.done $0x0  }
0x34: {  	p0 =	sne.s32 s17, s10;
	[sflag:s12] =	ssyncadd.s32 $0xFFFFC180  }
.Ltmp1:
0x35: {  	[bflag:$0x0] =	sbarrier.arrive $0xFFFF;
	(pc) =	sbr.rel @p0 .LBB2_1-.Ltmp1, $4  }
0x36: {  	[hbm:s9], [sflag:s6] =	dma.local [spmem:s11], $0x2780  }
0x37: {  	_ =	swait.ge [sflag:s12], $0x2780  }
0x38: {  	[sflag:s12] =	ssyncset.done $0x0  }
0x39: {  	[sflag:s12] =	ssyncadd.s32 $0xFFFFD880  }
0x3a: {  	_ =	sfence.sel $0x180000  }
0x3b: {  	[bflag:$0x0] =	sbarrier.arrive $0xFFFF  }
0x3c: {  	p0 =	sne.s32 s0, $0x0;
	_ =	strace $0x9000004D  }
0x3d: {  	s0 =	sadd.s32 @!p0 $0x100000, s1;
	[bflag:$0x2] =	sbarrier.arrive $0xFFFF  }
0x3e: {  	[sflag:s0] =	ssyncadd.tile.s32 @!p0 $0x1;
	_ =	shalt  }
.Lfunc_end2:
_tile_overlayer_lowered:
.L_overlay_start_2:
0x3f: {  	(tag) =	ssettag $0x2  }
0x40: {  	s0 =	rddreg [dreg:$0x0];
	s2 =	stileid.u32  }
0x41: {  	s1 =	rddreg [dreg:$0x1];
	p0 =	sne.s32 s2, $0x0  }
0x42: {  	s3 =	rddreg [dreg:$0x2];
	[bflag:$0x3] =	sbarrier.arrive $0xFFFF;
	s2 =	simm.s32 @!p0 $0x1C02  }
0x43: {  	[timem:s3], [sflag:s2] =	dma.local @!p0 [hbm:s0], s1  }
0x44: {  	s0 =	simm.s32 @!p0 $0x2  }
0x45: {  	_ =	swait.ge @!p0 [sflag:s0], s1  }
0x46: {  	s1 =	ssub.s32 @!p0 $0x0, s1;
	[sflag:s0] =	ssyncset.done @!p0 $0x0  }
0x47: {  	[sflag:s0] =	ssyncadd.s32 @!p0 s1  }
0x48: {  	[bflag:$0x3] =	sbarrier.arrive $0xFFFF  }
0x49: {  	_ =	shalt  }

// kernel: kernel.22.cloned.1.call-start
scs
__scs_entry_jumppad:
0x0: {  	(pc) =	sbr.rel $0x88, $3  }
0x1: {  	(tag) =	ssettag $0x0;
	lr =	simm.s32 $0x1  }
0x2: {  	[smem:$0x3F98] =	sst lr;
	_ =	strace $0xD0000000  }
0x3: {  	_ = 	snop  }
0x4: {  	_ = 	snop  }
0x5: {  	_ = 	snop  }
0x6: {  	_ = 	snop  }
0x7: {  	_ = 	snop  }
__scs_overlays_trampoline_lowered:
0x8: {  	[smem:$0x3FA7] =	sst s0  }
0x9: {  	[smem:$0x3FA8] =	sst s1  }
0xa: {  	[smem:$0x3FA9] =	sst s2  }
0xb: {  	[smem:$0x3FAA] =	sst s3  }
0xc: {  	[smem:$0x3FAB] =	sst s4  }
0xd: {  	[smem:$0x3FAC] =	sst s5  }
0xe: {  	[smem:$0x3FAD] =	sst s6  }
0xf: {  	[smem:$0x3FAE] =	sst s7  }
0x10: {  	[smem:$0x3FAF] =	sst s8  }
0x11: {  	[smem:$0x3FB0] =	sst s9;
	s0 =	simm.s32 @!p0 $0x0  }
0x12: {  	s1 =	sld [smem:$0x3F96];
	s0 =	simm.s32 @p0 $0x1  }
0x13: {  	[smem:$0x3FB1] =	sst s0;
	s0 =	simm.s32 @!p1 $0x0  }
0x14: {  	s2 =	sld [smem:$0x3F95];
	s0 =	simm.s32 @p1 $0x1  }
0x15: {  	[smem:$0x3FB2] =	sst s0;
	s0 =	simm.s32 @!p2 $0x0  }
0x16: {  	s3 =	sld [smem:$0x3FDB];
	s0 =	simm.s32 @p2 $0x1  }
0x17: {  	s4 =	simm.s32 $0x1BF5;
	[smem:$0x3FB4] =	sst s0  }
0x18: {  	s0 =	sld [smem:$0x3F97];
	_ =	swait.ge [sflag:s4], $0x0  }
0x19: {  	s7 =	sld [smem:$0x3F98]  }
0x1a: {  	s8 =	sadd.s32 $0xFFFFE003, lr  }
0x1b: {  	s9 =	sadd.s32 $0xFFFFFEF7, lr;
	s5 =	simm.s32 $0xFFFFFFFF;
	p2 =	slt.u32 s8, $0xFFFFF086  }
0x1c: {  	p1 =	slt.u32 s9, $0xF7A;
	s5 =	simm.s32 @!p2 $0x0  }
0x1d: {  	s5 =	simm.s32 @p1 $0x1;
	p0 =	seq.s32 s7, s2  }
0x1e: {  	s7 =	smul.u32 @!p0 $0xF7A, s2;
	p2 =	seq.s32 @!p0 s5, $0x0  }
0x1f: {  	s9 =	smul.u32 $0xF7A, s1;
	s8 =	simm.s32 @!p0 $0x1BF5;
	p2 =	por !p2, p0  }
0x20: {  	[sflag:s8] =	ssyncset.s32 @!p0 $0xFFFFF086;
	s6 =	sadd.s32 @!p0 s3, s7;
	s7 =	simm.s32 @!p0 $0x108  }
0x21: {  	s3 =	sadd.s32 s3, s9;
	s6 =	sadd.s32 @!p0 $0x88, s6;
	s7 =	simm.s32 @p2 $0x1082  }
0x22: {  	[simem:s7], [sflag:s8] =	dma.local @!p0 [hbm:s6], $0xF7A  }
0x23: {  	s9 =	sor.u32 $0xD0000000, s2;
	s6 =	simm.s32 $0x108;
	_ =	swait.ge @!p0 [sflag:s8], $0x0  }
0x24: {  	s3 =	sadd.s32 $0x88, s3;
	s6 =	simm.s32 @!p1 $0x1082;
	[sflag:s4] =	ssyncset.s32 $0xFFFFF086  }
0x25: {  	[simem:s6], [sflag:s4] =	dma.local [hbm:s3], $0xF7A  }
0x26: {  	[smem:$0x3F98] =	sst s1;
	(tag) =	ssettag s2;
	_ =	strace s9  }
0x27: {  	s1 =	sld [smem:$0x3FA8]  }
0x28: {  	s2 =	sld [smem:$0x3FA9]  }
0x29: {  	s4 =	sld [smem:$0x3FAB]  }
0x2a: {  	p0 =	seq.s32 s5, $0x0;
	s5 =	sld [smem:$0x3FAC]  }
0x2b: {  	s6 =	sld [smem:$0x3FAD]  }
0x2c: {  	s7 =	sld [smem:$0x3FAE]  }
0x2d: {  	s3 =	simm.s32 $0x108;
	s8 =	sld [smem:$0x3FAF]  }
0x2e: {  	s3 =	simm.s32 @!p0 $0x1082;
	s9 =	sld [smem:$0x3FB0]  }
0x2f: {  	lr =	sadd.s32 s0, s3;
	s0 =	sld [smem:$0x3FA7]  }
0x30: {  	s3 =	sld [smem:$0x3FAA]  }
0x31: {  	[smem:$0x3FB3] =	sst s10  }
0x32: {  	s10 =	sld [smem:$0x3FB1];
	_ =	sdelay $0x3  }
0x33: {  	p0 =	seq.s32 s10, $0x1;
	s10 =	sld [smem:$0x3FB3];
	_ =	sdelay $0x3  }
0x34: {  	[smem:$0x3FB3] =	sst s10  }
0x35: {  	s10 =	sld [smem:$0x3FB2];
	_ =	sdelay $0x3  }
0x36: {  	p1 =	seq.s32 s10, $0x1;
	s10 =	sld [smem:$0x3FB3];
	_ =	sdelay $0x3  }
0x37: {  	[smem:$0x3FB3] =	sst s10  }
0x38: {  	s10 =	sld [smem:$0x3FB4]  }
0x39: {  	_ = 	snop;
	(pc) =	sbr.ind lr, $3  }
0x3a: {  	_ = 	snop  }
0x3b: {  	_ = 	snop  }
0x3c: {  	p2 =	seq.s32 s10, $0x1;
	s10 =	sld [smem:$0x3FB3]  }
0x3d: {  	_ =	shalt  }
0x3e: {  	_ =	shalt  }
0x3f: {  	_ =	shalt  }
0x40: {  	_ =	shalt  }
0x41: {  	_ =	shalt  }
0x42: {  	_ =	shalt  }
0x43: {  	_ =	shalt  }
0x44: {  	_ =	shalt  }
0x45: {  	_ =	shalt  }
0x46: {  	_ =	shalt  }
0x47: {  	_ =	shalt  }
0x48: {  	_ =	shalt  }
0x49: {  	_ =	shalt  }
0x4a: {  	_ =	shalt  }
0x4b: {  	_ =	shalt  }
0x4c: {  	_ =	shalt  }
0x4d: {  	_ =	shalt  }
0x4e: {  	_ =	shalt  }
0x4f: {  	_ =	shalt  }
0x50: {  	_ =	shalt  }
0x51: {  	_ =	shalt  }
0x52: {  	_ =	shalt  }
0x53: {  	_ =	shalt  }
0x54: {  	_ =	shalt  }
0x55: {  	_ =	shalt  }
0x56: {  	_ =	shalt  }
0x57: {  	_ =	shalt  }
0x58: {  	_ =	shalt  }
0x59: {  	_ =	shalt  }
0x5a: {  	_ =	shalt  }
0x5b: {  	_ =	shalt  }
0x5c: {  	_ =	shalt  }
0x5d: {  	_ =	shalt  }
0x5e: {  	_ =	shalt  }
0x5f: {  	_ =	shalt  }
0x60: {  	_ =	shalt  }
0x61: {  	_ =	shalt  }
0x62: {  	_ =	shalt  }
0x63: {  	_ =	shalt  }
0x64: {  	_ =	shalt  }
0x65: {  	_ =	shalt  }
0x66: {  	_ =	shalt  }
0x67: {  	_ =	shalt  }
0x68: {  	_ =	shalt  }
0x69: {  	_ =	shalt  }
0x6a: {  	_ =	shalt  }
0x6b: {  	_ =	shalt  }
0x6c: {  	_ =	shalt  }
0x6d: {  	_ =	shalt  }
0x6e: {  	_ =	shalt  }
0x6f: {  	_ =	shalt  }
0x70: {  	_ =	shalt  }
0x71: {  	_ =	shalt  }
0x72: {  	_ =	shalt  }
0x73: {  	_ =	shalt  }
0x74: {  	_ =	shalt  }
0x75: {  	_ =	shalt  }
0x76: {  	_ =	shalt  }
0x77: {  	_ =	shalt  }
0x78: {  	_ =	shalt  }
0x79: {  	_ =	shalt  }
0x7a: {  	_ =	shalt  }
0x7b: {  	_ =	shalt  }
0x7c: {  	_ =	shalt  }
0x7d: {  	_ =	shalt  }
0x7e: {  	_ =	shalt  }
0x7f: {  	_ =	shalt  }
0x80: {  	_ =	shalt  }
0x81: {  	_ =	shalt  }
0x82: {  	_ =	shalt  }
0x83: {  	_ =	shalt  }
0x84: {  	_ =	shalt  }
0x85: {  	_ =	shalt  }
0x86: {  	_ =	shalt  }
0x87: {  	_ =	shalt  }
.Lfunc_end0:
.L_simem_size_0:
called_computation.3_lowered:
.L_overlay_start_0:
0x88: {  	s2 =	sld [smem:$0x3FD9]  }
0x89: {  	s3 =	sld [smem:$0x3FFE];
	_ =	sdelay $0x1  }
0x8a: {  	s1 =	srdreg.scid  }
0x8b: {  	s0 =	sand.u32 $0x1, s1  }
0x8c: {  	s16 =	sshll.u32 s0, $0xA;
	s2 =	sadd.s32 s3, s2  }
0x8d: {  	s2 =	sadd.s32 s2, s16  }
0x8e: {  	[smem:$0x3FBF] =	sst s2  }
0x8f: {  	_ = 	snop  }
0x90: {  	(tm) =	ssettm $0x1  }
0x91: {  	s17 =	sld [smem:$0x3FFB];
	_ =	sdelay $0x3  }
0x92: {  	_ =	strace s17  }
0x93: {  	s2 =	sld [smem:$0x3FFC];
	_ =	sdelay $0x3  }
0x94: {  	_ =	strace s2  }
0x95: {  	s2 =	sld [smem:$0x3FFD];
	_ =	sdelay $0x3  }
0x96: {  	_ =	strace s2  }
0x97: {  	_ =	strace $0x8FFFFFFF  }
0x98: {  	s18 =	sld [smem:$0x3FDB];
	_ =	sdelay $0x1  }
0x99: {  	s19 =	simm.s32 $_scs_section_size  }
0x9a: {  	s4 =	simm.s32 $_size__tile_overlayer_lowered;
	s5 =	simm.s32 $_tile_overlayer_lowered  }
0x9b: {  	s22 =	simm.s32 $0x1BFF;
	s21 =	sshll.u32 s5, $0x1;
	s2 =	sadd.s32 s19, s18  }
0x9c: {  	s6 =	simm.s32 $0x0;
	s20 =	sshll.u32 s4, $0x1;
	s4 =	sadd.s32 s21, s2  }
0x9d: {  	[timem:s6], [sflag:s22] =	dma.local [hbm:s4], s20  }
0x9e: {  	_ =	swait.ge [sflag:s22], s20  }
0x9f: {  	s3 =	ssub.s32 $0x0, s20;
	[sflag:s22] =	ssyncset.done $0x0  }
0xa0: {  	[sflag:s22] =	ssyncadd.s32 s3;
	_ =	sdelay $0x1  }
0xa1: {  	s23 =	simm.s32 $0x1B8B  }
0xa2: {  	_ =	swait.ge [sflag:s23], $0x1  }
0xa3: {  	[sflag:s23] =	ssyncset.done $0x0  }
0xa4: {  	s25 =	simm.s32 $0x1B8E;
	s24 =	sld [smem:$0x3FFE];
	[sflag:s23] =	ssyncadd.s32 $0xFFFFFFFF  }
0xa5: {  	s26 =	simm.s32 $execute0_lowered;
	[smem:$0x3FD2] =	sst s25  }
0xa6: {  	s4 =	sshll.u32 s26, $0x1;
	_ =	strace $0x8000004F;
	[dreg:$0x1] =	wrdreg $0xFFFFFFFF  }
0xa7: {  	s28 =	simm.s32 $_size_execute0_lowered;
	s2 =	sadd.s32 s2, s4;
	[dreg:$0x0] =	wrdreg $0x0  }
0xa8: {  	s4 =	sshll.u32 s28, $0x1;
	[dreg:$0x2] =	wrdreg s2  }
0xa9: {  	[dreg:$0x3] =	wrdreg s4  }
0xaa: {  	[dreg:$0x4] =	wrdreg $0xC0  }
0xab: {  	_ =	task [dreg:s6], $0x5FFFF  }
0xac: {  	[dreg:$0x1] =	wrdreg $0xFFFFFFFF  }
0xad: {  	[dreg:$0x0] =	wrdreg $0x60  }
0xae: {  	[dreg:$0x2] =	wrdreg s24  }
0xaf: {  	[dreg:$0x3] =	wrdreg $0x90000  }
0xb0: {  	[dreg:$0x4] =	wrdreg $0x9  }
0xb1: {  	_ =	task.clear_ibuf [dreg:s6], $0x5FFFF;
	_ =	strace $0x9000004F  }
0xb2: {  	s29 =	simm.s32 $0x9;
	_ =	strace $0x80000051  }
0xb3: {  	_ =	swait.ge [sflag:s29], $0x1  }
0xb4: {  	[sflag:s29] =	ssyncadd.s32 $0xFFFFFFFF  }
0xb5: {  	_ =	strace $0x90000051  }
0xb6: {  	_ =	sfence  }
0xb7: {  	s30 =	sld [smem:$0x0];
	_ =	sdelay $0x2  }
0xb8: {  	s31 =	sshll.u32 s1, $0xD;
	s1 =	sshrl.u32 s1, $0x2  }
0xb9: {  	s3 =	sand.u32 $0x4000, s31;
	s1 =	sadd.s32 s1, s30  }
0xba: {  	s0 =	sor.u32 s3, s0;
	s1 =	sshll.u32 s1, $0x11  }
0xbb: {  	s0 =	sor.u32 s1, s0  }
0xbc: {  	s0 =	sadd.s32 $0x8F2B, s0  }
0xbd: {  	[sflag:s0] =	ssyncadd.remote.s32 $0x1  }
0xbe: {  	_ =	sfence.sel $0xFFFF  }
0xbf: {  	[dreg:$0x0] =	wrdreg $0xFFFFFFFF;
	(pc) =	sbr.abs _section_cstart, $3  }
0xc0: {  	[dreg:$0x1] =	wrdreg $0xFFFFFFFF  }
0xc1: {  	_ =	task.clear_ibuf [dreg:s6], $0x2FFFF;
	_ =	strace $0x9FFFFFFF  }
0xc2: {  	(tm) =	ssettm $0x7FFFFFFF  }
0xc3: {  	_ =	shalt  }
tec
execute0_lowered:
.L_overlay_start_1:
0x0: {  	(tag) =	ssettag $0x1  }
0x1: {  	s0 =	srdreg.scid;
	s6 =	rddreg [dreg:$0x0]  }
0x2: {  	s2 =	rddreg [dreg:$0x1];
	s3 =	simm.s32 $0x0;
	s13 =	simm.s32 $0x2800  }
0x3: {  	s14 =	simm.s32 $0x7D;
	s5 =	sand.u32 $0x1, s0;
	s0 =	stileid.u32  }
0x4: {  	s15 =	simm.s32 $0x5000;
	s16 =	simm.s32 $0x1;
	s8 =	smul.u32 $0x500, s0  }
0x5: {  	s17 =	simm.s32 $0x0;
	[smem:$0x7FF] =	sst s3;
	s9 =	smul.u32 $0x2780, s0  }
0x6: {  	s1 =	sshll.u32 s5, $0x4;
	s10 =	smul.u32 $0x27800, s5;
	s5 =	ssub.s32 $0x2, s5  }
0x7: {  	s11 =	smul.u32 $0x4F000, s0;
	s31 =	sshll.u32 s0, $0x6;
	s4 =	sor.u32 s0, s1  }
0x8: {  	s1 =	rddreg [dreg:$0x2];
	_ =	strace $0x80000050;
	s29 =	sshrl.u32 s5, $0x1  }
0x9: {  	s7 =	smul.u32 $0x500, s4;
	s4 =	sadd.s32 $0x14C00, s6;
	s8 =	sadd.s32 s8, s6  }
0xa: {  	s12 =	sadd.s32 s9, s6;
	s9 =	sadd.s32 s9, s10;
	s30 =	sshrl.u32 s11, $0x2  }
0xb: {  	s10 =	ssub.s32 s5, s29;
	s9 =	sadd.s32 s9, s6;
	s11 =	sadd.s32 s30, s2  }
0xc: {  	s5 =	sadd.s32 $0x14D400, s12;
	s8 =	sadd.s32 $0xFC00, s8;
	s10 =	smax.u32 s10, $0x1  }
0xd: {  	s12 =	simm.s32 $0x2;
	s7 =	sadd.s32 s7, s6;
	s6 =	sor.u32 $0x1C02, s31  }
0xe: {  	s9 =	sadd.s32 $0xB1000, s9;
	s11 =	sshrl.u32 s11, $0x3;
	s7 =	sadd.s32 $0x5C00, s7  }
.LBB2_1:
0xf: {  	[spmem:s11], [sflag:s6] =	dma.local [hbm:s5], $0x2780  }
0x10: {  	_ =	swait.ge [sflag:s12], $0x2780  }
0x11: {  	[sflag:s12] =	ssyncset.done $0x0  }
0x12: {  	[sflag:s12] =	ssyncadd.s32 $0xFFFFD880  }
0x13: {  	[tilespmem:s3], [sflag:$0x2] =	stream.linear.gather [hbm4b:s7+s3], $0x2800, $0x38;
	[tilespmem:$0x1CC00] =	vst v63  }
0x14: {  	_ =	swait.ge [sflag:s12], $0x2800  }
0x15: {  	[sflag:s12] =	ssyncset.done $0x0  }
0x16: {  	[sflag:s12] =	ssyncadd.s32 $0xFFFFD800  }
0x17: {  	[tilespmem:s13], [sflag:$0x2] =	stream.linear.gather [hbm4b:s8+s3], $0x2800, $0x38;
	[tilespmem:$0x1CC00] =	vst v63  }
0x18: {  	_ =	swait.ge [sflag:s12], $0x2800  }
0x19: {  	[sflag:s12] =	ssyncset.done $0x0  }
0x1a: {  	[sflag:s12] =	ssyncadd.s32 $0xFFFFD800  }
0x1b: {  	s18 =	simm.s32 $0x0;
	[bflag:$0x0] =	sbarrier.arrive $0xFFFF  }
0x1c: {  	[tilespmem:s15], [sflag:$0x1] =	stream.indirect.gather [hbm4b:s4+s14], $0x80, s18, s14, $0xb8;
	[tilespmem:$0x1CC00] =	vst v63  }
0x1d: {  	_ =	swait.ge [sflag:s16], $0x3E80  }
0x1e: {  	[sflag:s16] =	ssyncset.done $0x0  }
0x1f: {  	s31 =	simm.s32 $0x2800;
	[sflag:s16] =	ssyncadd.s32 $0xFFFFC180  }
0x20: {  	[spmem:s2] =	stream.indirect.scatter.add.f32 [tilespmem:s15], [sflag:$0x2], $0x80, s31, s14, $0xb8;
	[tilespmem:$0x1CC00] =	vst v63  }
0x21: {  	_ =	swait.ge [sflag:s12], $0x3E80  }
0x22: {  	s19 =	simm.s32 $0x400;
	s18 =	simm.s32 $0x200;
	[sflag:s12] =	ssyncset.done $0x0  }
.LBB2_2:
0x23: {  	s20 =	sshra.s32 s18, $0x2  }
0x24: {  	[sflag:s12] =	ssyncadd.s32 $0xFFFFC180;
	s18 =	smov.u32 s19;
	s21 =	sadd.s32 $0x200, s19  }
0x25: {  	[tilespmem:s15], [sflag:$0x1] =	stream.indirect.gather [hbm4b:s4+s14], $0x80, s20, s14, $0xb8;
	[tilespmem:$0x1CC00] =	vst v63  }
0x26: {  	p0 =	sne.s32 s19, $0x9E00;
	_ =	swait.ge [sflag:s16], $0x3E80  }
.Ltmp0:
0x27: {  	[sflag:s16] =	ssyncset.done $0x0;
	(pc) =	sbr.rel @p0 .LBB2_2-.Ltmp0, $4  }
0x28: {  	s19 =	sadd.s32 $0x2800, s20;
	[sflag:s16] =	ssyncadd.s32 $0xFFFFC180  }
0x29: {  	[spmem:s2] =	stream.indirect.scatter.add.f32 [tilespmem:s15], [sflag:$0x2], $0x80, s19, s14, $0xb8;
	[tilespmem:$0x1CC00] =	vst v63  }
0x2a: {  	_ =	swait.ge [sflag:s12], $0x3E80  }
0x2b: {  	s19 =	smov.u32 s21;
	[sflag:s12] =	ssyncset.done $0x0  }
0x2c: {  	s18 =	sshra.s32 s18, $0x2;
	[sflag:s12] =	ssyncadd.s32 $0xFFFFC180  }
0x2d: {  	[tilespmem:s15], [sflag:$0x1] =	stream.indirect.gather [hbm4b:s4+s14], $0x80, s18, s14, $0xb8;
	[tilespmem:$0x1CC00] =	vst v63  }
0x2e: {  	_ =	swait.ge [sflag:s16], $0x3E80  }
0x2f: {  	[sflag:s16] =	ssyncset.done $0x0  }
0x30: {  	s18 =	sadd.s32 $0x2800, s18;
	[sflag:s16] =	ssyncadd.s32 $0xFFFFC180  }
0x31: {  	[spmem:s2] =	stream.indirect.scatter.add.f32 [tilespmem:s15], [sflag:$0x2], $0x80, s18, s14, $0xb8;
	[tilespmem:$0x1CC00] =	vst v63  }
0x32: {  	_ =	swait.ge [sflag:s12], $0x3E80  }
0x33: {  	s17 =	sadd.s32 $0x1, s17;
	[sflag:s12] =	ssyncset.done $0x0  }
0x34: {  	p0 =	sne.s32 s17, s10;
	[sflag:s12] =	ssyncadd.s32 $0xFFFFC180  }
.Ltmp1:
0x35: {  	[bflag:$0x0] =	sbarrier.arrive $0xFFFF;
	(pc) =	sbr.rel @p0 .LBB2_1-.Ltmp1, $4  }
0x36: {  	[hbm:s9], [sflag:s6] =	dma.local [spmem:s11], $0x2780  }
0x37: {  	_ =	swait.ge [sflag:s12], $0x2780  }
0x38: {  	[sflag:s12] =	ssyncset.done $0x0  }
0x39: {  	[sflag:s12] =	ssyncadd.s32 $0xFFFFD880  }
0x3a: {  	_ =	sfence.sel $0x180000  }
0x3b: {  	[bflag:$0x0] =	sbarrier.arrive $0xFFFF  }
0x3c: {  	p0 =	sne.s32 s0, $0x0;
	_ =	strace $0x90000050  }
0x3d: {  	s0 =	sadd.s32 @!p0 $0x100000, s1;
	[bflag:$0x2] =	sbarrier.arrive $0xFFFF  }
0x3e: {  	[sflag:s0] =	ssyncadd.tile.s32 @!p0 $0x1;
	_ =	shalt  }
.Lfunc_end2:
_tile_overlayer_lowered:
.L_overlay_start_2:
0x3f: {  	(tag) =	ssettag $0x2  }
0x40: {  	s0 =	rddreg [dreg:$0x0];
	s2 =	stileid.u32  }
0x41: {  	s1 =	rddreg [dreg:$0x1];
	p0 =	sne.s32 s2, $0x0  }
0x42: {  	s3 =	rddreg [dreg:$0x2];
	[bflag:$0x3] =	sbarrier.arrive $0xFFFF;
	s2 =	simm.s32 @!p0 $0x1C02  }
0x43: {  	[timem:s3], [sflag:s2] =	dma.local @!p0 [hbm:s0], s1  }
0x44: {  	s0 =	simm.s32 @!p0 $0x2  }
0x45: {  	_ =	swait.ge @!p0 [sflag:s0], s1  }
0x46: {  	s1 =	ssub.s32 @!p0 $0x0, s1;
	[sflag:s0] =	ssyncset.done @!p0 $0x0  }
0x47: {  	[sflag:s0] =	ssyncadd.s32 @!p0 s1  }
0x48: {  	[bflag:$0x3] =	sbarrier.arrive $0xFFFF  }
0x49: {  	_ =	shalt  }

// kernel: kernel.25.cloned.1.call-start
scs
__scs_entry_jumppad:
0x0: {  	(pc) =	sbr.rel $0x88, $3  }
0x1: {  	(tag) =	ssettag $0x0;
	lr =	simm.s32 $0x1  }
0x2: {  	[smem:$0x3F98] =	sst lr;
	_ =	strace $0xD0000000  }
0x3: {  	_ = 	snop  }
0x4: {  	_ = 	snop  }
0x5: {  	_ = 	snop  }
0x6: {  	_ = 	snop  }
0x7: {  	_ = 	snop  }
__scs_overlays_trampoline_lowered:
0x8: {  	[smem:$0x3FA7] =	sst s0  }
0x9: {  	[smem:$0x3FA8] =	sst s1  }
0xa: {  	[smem:$0x3FA9] =	sst s2  }
0xb: {  	[smem:$0x3FAA] =	sst s3  }
0xc: {  	[smem:$0x3FAB] =	sst s4  }
0xd: {  	[smem:$0x3FAC] =	sst s5  }
0xe: {  	[smem:$0x3FAD] =	sst s6  }
0xf: {  	[smem:$0x3FAE] =	sst s7  }
0x10: {  	[smem:$0x3FAF] =	sst s8  }
0x11: {  	[smem:$0x3FB0] =	sst s9;
	s0 =	simm.s32 @!p0 $0x0  }
0x12: {  	s1 =	sld [smem:$0x3F96];
	s0 =	simm.s32 @p0 $0x1  }
0x13: {  	[smem:$0x3FB1] =	sst s0;
	s0 =	simm.s32 @!p1 $0x0  }
0x14: {  	s2 =	sld [smem:$0x3F95];
	s0 =	simm.s32 @p1 $0x1  }
0x15: {  	[smem:$0x3FB2] =	sst s0;
	s0 =	simm.s32 @!p2 $0x0  }
0x16: {  	s3 =	sld [smem:$0x3FDB];
	s0 =	simm.s32 @p2 $0x1  }
0x17: {  	s4 =	simm.s32 $0x1BF5;
	[smem:$0x3FB4] =	sst s0  }
0x18: {  	s0 =	sld [smem:$0x3F97];
	_ =	swait.ge [sflag:s4], $0x0  }
0x19: {  	s7 =	sld [smem:$0x3F98]  }
0x1a: {  	s8 =	sadd.s32 $0xFFFFE003, lr  }
0x1b: {  	s9 =	sadd.s32 $0xFFFFFEF7, lr;
	s5 =	simm.s32 $0xFFFFFFFF;
	p2 =	slt.u32 s8, $0xFFFFF086  }
0x1c: {  	p1 =	slt.u32 s9, $0xF7A;
	s5 =	simm.s32 @!p2 $0x0  }
0x1d: {  	s5 =	simm.s32 @p1 $0x1;
	p0 =	seq.s32 s7, s2  }
0x1e: {  	s7 =	smul.u32 @!p0 $0xF7A, s2;
	p2 =	seq.s32 @!p0 s5, $0x0  }
0x1f: {  	s9 =	smul.u32 $0xF7A, s1;
	s8 =	simm.s32 @!p0 $0x1BF5;
	p2 =	por !p2, p0  }
0x20: {  	[sflag:s8] =	ssyncset.s32 @!p0 $0xFFFFF086;
	s6 =	sadd.s32 @!p0 s3, s7;
	s7 =	simm.s32 @!p0 $0x108  }
0x21: {  	s3 =	sadd.s32 s3, s9;
	s6 =	sadd.s32 @!p0 $0x88, s6;
	s7 =	simm.s32 @p2 $0x1082  }
0x22: {  	[simem:s7], [sflag:s8] =	dma.local @!p0 [hbm:s6], $0xF7A  }
0x23: {  	s9 =	sor.u32 $0xD0000000, s2;
	s6 =	simm.s32 $0x108;
	_ =	swait.ge @!p0 [sflag:s8], $0x0  }
0x24: {  	s3 =	sadd.s32 $0x88, s3;
	s6 =	simm.s32 @!p1 $0x1082;
	[sflag:s4] =	ssyncset.s32 $0xFFFFF086  }
0x25: {  	[simem:s6], [sflag:s4] =	dma.local [hbm:s3], $0xF7A  }
0x26: {  	[smem:$0x3F98] =	sst s1;
	(tag) =	ssettag s2;
	_ =	strace s9  }
0x27: {  	s1 =	sld [smem:$0x3FA8]  }
0x28: {  	s2 =	sld [smem:$0x3FA9]  }
0x29: {  	s4 =	sld [smem:$0x3FAB]  }
0x2a: {  	p0 =	seq.s32 s5, $0x0;
	s5 =	sld [smem:$0x3FAC]  }
0x2b: {  	s6 =	sld [smem:$0x3FAD]  }
0x2c: {  	s7 =	sld [smem:$0x3FAE]  }
0x2d: {  	s3 =	simm.s32 $0x108;
	s8 =	sld [smem:$0x3FAF]  }
0x2e: {  	s3 =	simm.s32 @!p0 $0x1082;
	s9 =	sld [smem:$0x3FB0]  }
0x2f: {  	lr =	sadd.s32 s0, s3;
	s0 =	sld [smem:$0x3FA7]  }
0x30: {  	s3 =	sld [smem:$0x3FAA]  }
0x31: {  	[smem:$0x3FB3] =	sst s10  }
0x32: {  	s10 =	sld [smem:$0x3FB1];
	_ =	sdelay $0x3  }
0x33: {  	p0 =	seq.s32 s10, $0x1;
	s10 =	sld [smem:$0x3FB3];
	_ =	sdelay $0x3  }
0x34: {  	[smem:$0x3FB3] =	sst s10  }
0x35: {  	s10 =	sld [smem:$0x3FB2];
	_ =	sdelay $0x3  }
0x36: {  	p1 =	seq.s32 s10, $0x1;
	s10 =	sld [smem:$0x3FB3];
	_ =	sdelay $0x3  }
0x37: {  	[smem:$0x3FB3] =	sst s10  }
0x38: {  	s10 =	sld [smem:$0x3FB4]  }
0x39: {  	_ = 	snop;
	(pc) =	sbr.ind lr, $3  }
0x3a: {  	_ = 	snop  }
0x3b: {  	_ = 	snop  }
0x3c: {  	p2 =	seq.s32 s10, $0x1;
	s10 =	sld [smem:$0x3FB3]  }
0x3d: {  	_ =	shalt  }
0x3e: {  	_ =	shalt  }
0x3f: {  	_ =	shalt  }
0x40: {  	_ =	shalt  }
0x41: {  	_ =	shalt  }
0x42: {  	_ =	shalt  }
0x43: {  	_ =	shalt  }
0x44: {  	_ =	shalt  }
0x45: {  	_ =	shalt  }
0x46: {  	_ =	shalt  }
0x47: {  	_ =	shalt  }
0x48: {  	_ =	shalt  }
0x49: {  	_ =	shalt  }
0x4a: {  	_ =	shalt  }
0x4b: {  	_ =	shalt  }
0x4c: {  	_ =	shalt  }
0x4d: {  	_ =	shalt  }
0x4e: {  	_ =	shalt  }
0x4f: {  	_ =	shalt  }
0x50: {  	_ =	shalt  }
0x51: {  	_ =	shalt  }
0x52: {  	_ =	shalt  }
0x53: {  	_ =	shalt  }
0x54: {  	_ =	shalt  }
0x55: {  	_ =	shalt  }
0x56: {  	_ =	shalt  }
0x57: {  	_ =	shalt  }
0x58: {  	_ =	shalt  }
0x59: {  	_ =	shalt  }
0x5a: {  	_ =	shalt  }
0x5b: {  	_ =	shalt  }
0x5c: {  	_ =	shalt  }
0x5d: {  	_ =	shalt  }
0x5e: {  	_ =	shalt  }
0x5f: {  	_ =	shalt  }
0x60: {  	_ =	shalt  }
0x61: {  	_ =	shalt  }
0x62: {  	_ =	shalt  }
0x63: {  	_ =	shalt  }
0x64: {  	_ =	shalt  }
0x65: {  	_ =	shalt  }
0x66: {  	_ =	shalt  }
0x67: {  	_ =	shalt  }
0x68: {  	_ =	shalt  }
0x69: {  	_ =	shalt  }
0x6a: {  	_ =	shalt  }
0x6b: {  	_ =	shalt  }
0x6c: {  	_ =	shalt  }
0x6d: {  	_ =	shalt  }
0x6e: {  	_ =	shalt  }
0x6f: {  	_ =	shalt  }
0x70: {  	_ =	shalt  }
0x71: {  	_ =	shalt  }
0x72: {  	_ =	shalt  }
0x73: {  	_ =	shalt  }
0x74: {  	_ =	shalt  }
0x75: {  	_ =	shalt  }
0x76: {  	_ =	shalt  }
0x77: {  	_ =	shalt  }
0x78: {  	_ =	shalt  }
0x79: {  	_ =	shalt  }
0x7a: {  	_ =	shalt  }
0x7b: {  	_ =	shalt  }
0x7c: {  	_ =	shalt  }
0x7d: {  	_ =	shalt  }
0x7e: {  	_ =	shalt  }
0x7f: {  	_ =	shalt  }
0x80: {  	_ =	shalt  }
0x81: {  	_ =	shalt  }
0x82: {  	_ =	shalt  }
0x83: {  	_ =	shalt  }
0x84: {  	_ =	shalt  }
0x85: {  	_ =	shalt  }
0x86: {  	_ =	shalt  }
0x87: {  	_ =	shalt  }
.Lfunc_end0:
.L_simem_size_0:
called_computation.4_lowered:
.L_overlay_start_0:
0x88: {  	s2 =	sld [smem:$0x3FD9]  }
0x89: {  	s3 =	sld [smem:$0x3FFE];
	_ =	sdelay $0x1  }
0x8a: {  	s1 =	srdreg.scid  }
0x8b: {  	s0 =	sand.u32 $0x1, s1  }
0x8c: {  	s16 =	sshll.u32 s0, $0xA;
	s2 =	sadd.s32 s3, s2  }
0x8d: {  	s2 =	sadd.s32 s2, s16  }
0x8e: {  	[smem:$0x3FBF] =	sst s2  }
0x8f: {  	_ = 	snop  }
0x90: {  	(tm) =	ssettm $0x1  }
0x91: {  	s17 =	sld [smem:$0x3FFB];
	_ =	sdelay $0x3  }
0x92: {  	_ =	strace s17  }
0x93: {  	s2 =	sld [smem:$0x3FFC];
	_ =	sdelay $0x3  }
0x94: {  	_ =	strace s2  }
0x95: {  	s2 =	sld [smem:$0x3FFD];
	_ =	sdelay $0x3  }
0x96: {  	_ =	strace s2  }
0x97: {  	_ =	strace $0x8FFFFFFF  }
0x98: {  	s18 =	sld [smem:$0x3FDB];
	_ =	sdelay $0x1  }
0x99: {  	s19 =	simm.s32 $_scs_section_size  }
0x9a: {  	s4 =	simm.s32 $_size__tile_overlayer_lowered;
	s5 =	simm.s32 $_tile_overlayer_lowered  }
0x9b: {  	s22 =	simm.s32 $0x1BFF;
	s21 =	sshll.u32 s5, $0x1;
	s2 =	sadd.s32 s19, s18  }
0x9c: {  	s6 =	simm.s32 $0x0;
	s20 =	sshll.u32 s4, $0x1;
	s4 =	sadd.s32 s21, s2  }
0x9d: {  	[timem:s6], [sflag:s22] =	dma.local [hbm:s4], s20  }
0x9e: {  	_ =	swait.ge [sflag:s22], s20  }
0x9f: {  	s3 =	ssub.s32 $0x0, s20;
	[sflag:s22] =	ssyncset.done $0x0  }
0xa0: {  	[sflag:s22] =	ssyncadd.s32 s3;
	_ =	sdelay $0x1  }
0xa1: {  	s23 =	simm.s32 $0x1B8B  }
0xa2: {  	_ =	swait.ge [sflag:s23], $0x1  }
0xa3: {  	[sflag:s23] =	ssyncset.done $0x0  }
0xa4: {  	s25 =	simm.s32 $0x1B8E;
	s24 =	sld [smem:$0x3FFE];
	[sflag:s23] =	ssyncadd.s32 $0xFFFFFFFF  }
0xa5: {  	s26 =	simm.s32 $execute0_lowered;
	[smem:$0x3FD2] =	sst s25  }
0xa6: {  	s4 =	sshll.u32 s26, $0x1;
	_ =	strace $0x80000052;
	[dreg:$0x1] =	wrdreg $0xFFFFFFFF  }
0xa7: {  	s28 =	simm.s32 $_size_execute0_lowered;
	s2 =	sadd.s32 s2, s4;
	[dreg:$0x0] =	wrdreg $0x0  }
0xa8: {  	s4 =	sshll.u32 s28, $0x1;
	[dreg:$0x2] =	wrdreg s2  }
0xa9: {  	[dreg:$0x3] =	wrdreg s4  }
0xaa: {  	[dreg:$0x4] =	wrdreg $0xC0  }
0xab: {  	_ =	task [dreg:s6], $0x5FFFF  }
0xac: {  	[dreg:$0x1] =	wrdreg $0xFFFFFFFF  }
0xad: {  	[dreg:$0x0] =	wrdreg $0x60  }
0xae: {  	[dreg:$0x2] =	wrdreg s24  }
0xaf: {  	[dreg:$0x3] =	wrdreg $0x90000  }
0xb0: {  	[dreg:$0x4] =	wrdreg $0x9  }
0xb1: {  	_ =	task.clear_ibuf [dreg:s6], $0x5FFFF;
	_ =	strace $0x90000052  }
0xb2: {  	s29 =	simm.s32 $0x9;
	_ =	strace $0x80000054  }
0xb3: {  	_ =	swait.ge [sflag:s29], $0x1  }
0xb4: {  	[sflag:s29] =	ssyncadd.s32 $0xFFFFFFFF  }
0xb5: {  	_ =	strace $0x90000054  }
0xb6: {  	_ =	sfence  }
0xb7: {  	s30 =	sld [smem:$0x0];
	_ =	sdelay $0x2  }
0xb8: {  	s31 =	sshll.u32 s1, $0xD;
	s1 =	sshrl.u32 s1, $0x2  }
0xb9: {  	s3 =	sand.u32 $0x4000, s31;
	s1 =	sadd.s32 s1, s30  }
0xba: {  	s0 =	sor.u32 s3, s0;
	s1 =	sshll.u32 s1, $0x11  }
0xbb: {  	s0 =	sor.u32 s1, s0  }
0xbc: {  	s0 =	sadd.s32 $0x8F2B, s0  }
0xbd: {  	[sflag:s0] =	ssyncadd.remote.s32 $0x1  }
0xbe: {  	_ =	sfence.sel $0xFFFF  }
0xbf: {  	[dreg:$0x0] =	wrdreg $0xFFFFFFFF;
	(pc) =	sbr.abs _section_cstart, $3  }
0xc0: {  	[dreg:$0x1] =	wrdreg $0xFFFFFFFF  }
0xc1: {  	_ =	task.clear_ibuf [dreg:s6], $0x2FFFF;
	_ =	strace $0x9FFFFFFF  }
0xc2: {  	(tm) =	ssettm $0x7FFFFFFF  }
0xc3: {  	_ =	shalt  }
tec
execute0_lowered:
.L_overlay_start_1:
0x0: {  	(tag) =	ssettag $0x1  }
0x1: {  	s0 =	srdreg.scid;
	s6 =	rddreg [dreg:$0x0]  }
0x2: {  	s2 =	rddreg [dreg:$0x1];
	s3 =	simm.s32 $0x0;
	s13 =	simm.s32 $0x2800  }
0x3: {  	s14 =	simm.s32 $0x7D;
	s5 =	sand.u32 $0x1, s0;
	s0 =	stileid.u32  }
0x4: {  	s15 =	simm.s32 $0x5000;
	s16 =	simm.s32 $0x1;
	s8 =	smul.u32 $0x500, s0  }
0x5: {  	s17 =	simm.s32 $0x0;
	[smem:$0x7FF] =	sst s3;
	s9 =	smul.u32 $0x2780, s0  }
0x6: {  	s1 =	sshll.u32 s5, $0x4;
	s10 =	smul.u32 $0x27800, s5;
	s5 =	ssub.s32 $0x2, s5  }
0x7: {  	s11 =	smul.u32 $0x4F000, s0;
	s31 =	sshll.u32 s0, $0x6;
	s4 =	sor.u32 s0, s1  }
0x8: {  	s1 =	rddreg [dreg:$0x2];
	_ =	strace $0x80000053;
	s29 =	sshrl.u32 s5, $0x1  }
0x9: {  	s7 =	smul.u32 $0x500, s4;
	s4 =	sadd.s32 $0x174C00, s6;
	s8 =	sadd.s32 s8, s6  }
0xa: {  	s12 =	sadd.s32 s9, s6;
	s9 =	sadd.s32 s9, s10;
	s30 =	sshrl.u32 s11, $0x2  }
0xb: {  	s10 =	ssub.s32 s5, s29;
	s9 =	sadd.s32 s9, s6;
	s11 =	sadd.s32 s30, s2  }
0xc: {  	s5 =	sadd.s32 $0x14D400, s12;
	s8 =	sadd.s32 $0xFC00, s8;
	s10 =	smax.u32 s10, $0x1  }
0xd: {  	s12 =	simm.s32 $0x2;
	s7 =	sadd.s32 s7, s6;
	s6 =	sor.u32 $0x1C02, s31  }
0xe: {  	s9 =	sadd.s32 $0x14C00, s9;
	s11 =	sshrl.u32 s11, $0x3;
	s7 =	sadd.s32 $0x5C00, s7  }
.LBB2_1:
0xf: {  	[spmem:s11], [sflag:s6] =	dma.local [hbm:s5], $0x2780  }
0x10: {  	_ =	swait.ge [sflag:s12], $0x2780  }
0x11: {  	[sflag:s12] =	ssyncset.done $0x0  }
0x12: {  	[sflag:s12] =	ssyncadd.s32 $0xFFFFD880  }
0x13: {  	[tilespmem:s3], [sflag:$0x2] =	stream.linear.gather [hbm4b:s7+s3], $0x2800, $0x38;
	[tilespmem:$0x1CC00] =	vst v63  }
0x14: {  	_ =	swait.ge [sflag:s12], $0x2800  }
0x15: {  	[sflag:s12] =	ssyncset.done $0x0  }
0x16: {  	[sflag:s12] =	ssyncadd.s32 $0xFFFFD800  }
0x17: {  	[tilespmem:s13], [sflag:$0x2] =	stream.linear.gather [hbm4b:s8+s3], $0x2800, $0x38;
	[tilespmem:$0x1CC00] =	vst v63  }
0x18: {  	_ =	swait.ge [sflag:s12], $0x2800  }
0x19: {  	[sflag:s12] =	ssyncset.done $0x0  }
0x1a: {  	[sflag:s12] =	ssyncadd.s32 $0xFFFFD800  }
0x1b: {  	s18 =	simm.s32 $0x0;
	[bflag:$0x0] =	sbarrier.arrive $0xFFFF  }
0x1c: {  	[tilespmem:s15], [sflag:$0x1] =	stream.indirect.gather [hbm4b:s4+s14], $0x80, s18, s14, $0xb8;
	[tilespmem:$0x1CC00] =	vst v63  }
0x1d: {  	_ =	swait.ge [sflag:s16], $0x3E80  }
0x1e: {  	[sflag:s16] =	ssyncset.done $0x0  }
0x1f: {  	s31 =	simm.s32 $0x2800;
	[sflag:s16] =	ssyncadd.s32 $0xFFFFC180  }
0x20: {  	[spmem:s2] =	stream.indirect.scatter.add.f32 [tilespmem:s15], [sflag:$0x2], $0x80, s31, s14, $0xb8;
	[tilespmem:$0x1CC00] =	vst v63  }
0x21: {  	_ =	swait.ge [sflag:s12], $0x3E80  }
0x22: {  	s19 =	simm.s32 $0x400;
	s18 =	simm.s32 $0x200;
	[sflag:s12] =	ssyncset.done $0x0  }
.LBB2_2:
0x23: {  	s20 =	sshra.s32 s18, $0x2  }
0x24: {  	[sflag:s12] =	ssyncadd.s32 $0xFFFFC180;
	s18 =	smov.u32 s19;
	s21 =	sadd.s32 $0x200, s19  }
0x25: {  	[tilespmem:s15], [sflag:$0x1] =	stream.indirect.gather [hbm4b:s4+s14], $0x80, s20, s14, $0xb8;
	[tilespmem:$0x1CC00] =	vst v63  }
0x26: {  	p0 =	sne.s32 s19, $0x9E00;
	_ =	swait.ge [sflag:s16], $0x3E80  }
.Ltmp0:
0x27: {  	[sflag:s16] =	ssyncset.done $0x0;
	(pc) =	sbr.rel @p0 .LBB2_2-.Ltmp0, $4  }
0x28: {  	s19 =	sadd.s32 $0x2800, s20;
	[sflag:s16] =	ssyncadd.s32 $0xFFFFC180  }
0x29: {  	[spmem:s2] =	stream.indirect.scatter.add.f32 [tilespmem:s15], [sflag:$0x2], $0x80, s19, s14, $0xb8;
	[tilespmem:$0x1CC00] =	vst v63  }
0x2a: {  	_ =	swait.ge [sflag:s12], $0x3E80  }
0x2b: {  	s19 =	smov.u32 s21;
	[sflag:s12] =	ssyncset.done $0x0  }
0x2c: {  	s18 =	sshra.s32 s18, $0x2;
	[sflag:s12] =	ssyncadd.s32 $0xFFFFC180  }
0x2d: {  	[tilespmem:s15], [sflag:$0x1] =	stream.indirect.gather [hbm4b:s4+s14], $0x80, s18, s14, $0xb8;
	[tilespmem:$0x1CC00] =	vst v63  }
0x2e: {  	_ =	swait.ge [sflag:s16], $0x3E80  }
0x2f: {  	[sflag:s16] =	ssyncset.done $0x0  }
0x30: {  	s18 =	sadd.s32 $0x2800, s18;
	[sflag:s16] =	ssyncadd.s32 $0xFFFFC180  }
0x31: {  	[spmem:s2] =	stream.indirect.scatter.add.f32 [tilespmem:s15], [sflag:$0x2], $0x80, s18, s14, $0xb8;
	[tilespmem:$0x1CC00] =	vst v63  }
0x32: {  	_ =	swait.ge [sflag:s12], $0x3E80  }
0x33: {  	s17 =	sadd.s32 $0x1, s17;
	[sflag:s12] =	ssyncset.done $0x0  }
0x34: {  	p0 =	sne.s32 s17, s10;
	[sflag:s12] =	ssyncadd.s32 $0xFFFFC180  }
.Ltmp1:
0x35: {  	[bflag:$0x0] =	sbarrier.arrive $0xFFFF;
	(pc) =	sbr.rel @p0 .LBB2_1-.Ltmp1, $4  }
0x36: {  	[hbm:s9], [sflag:s6] =	dma.local [spmem:s11], $0x2780  }
0x37: {  	_ =	swait.ge [sflag:s12], $0x2780  }
0x38: {  	[sflag:s12] =	ssyncset.done $0x0  }
0x39: {  	[sflag:s12] =	ssyncadd.s32 $0xFFFFD880  }
0x3a: {  	_ =	sfence.sel $0x180000  }
0x3b: {  	[bflag:$0x0] =	sbarrier.arrive $0xFFFF  }
0x3c: {  	p0 =	sne.s32 s0, $0x0;
	_ =	strace $0x90000053  }
0x3d: {  	s0 =	sadd.s32 @!p0 $0x100000, s1;
	[bflag:$0x2] =	sbarrier.arrive $0xFFFF  }
0x3e: {  	[sflag:s0] =	ssyncadd.tile.s32 @!p0 $0x1;
	_ =	shalt  }
.Lfunc_end2:
_tile_overlayer_lowered:
.L_overlay_start_2:
0x3f: {  	(tag) =	ssettag $0x2  }
0x40: {  	s0 =	rddreg [dreg:$0x0];
	s2 =	stileid.u32  }
0x41: {  	s1 =	rddreg [dreg:$0x1];
	p0 =	sne.s32 s2, $0x0  }
0x42: {  	s3 =	rddreg [dreg:$0x2];
	[bflag:$0x3] =	sbarrier.arrive $0xFFFF;
	s2 =	simm.s32 @!p0 $0x1C02  }
0x43: {  	[timem:s3], [sflag:s2] =	dma.local @!p0 [hbm:s0], s1  }
0x44: {  	s0 =	simm.s32 @!p0 $0x2  }
0x45: {  	_ =	swait.ge @!p0 [sflag:s0], s1  }
0x46: {  	s1 =	ssub.s32 @!p0 $0x0, s1;
	[sflag:s0] =	ssyncset.done @!p0 $0x0  }
0x47: {  	[sflag:s0] =	ssyncadd.s32 @!p0 s1  }
0x48: {  	[bflag:$0x3] =	sbarrier.arrive $0xFFFF  }
0x49: {  	_ =	shalt  }

</sc_bundles>
